<compile_context>
chip_gen: v7x
topology: tpu7x:2x2x1
jax: 0.10.2.dev20260603
libtpu: 0.0.44.dev20260713+nightly
codegen_flags: <defaults>
</compile_context>

<pallas_src>
import functools

import jax
import jax.numpy as jnp
from jax import lax
from jax.experimental import pallas as pl
from jax.experimental.pallas import tpu as pltpu
from jax.experimental.pallas import tpu_sc as plsc

N_NODES = 10000
N_EDGES = 320000
HIDDEN = 128
HALF = HIDDEN // 2
EPS = 1e-7
NC = 2
NS = 16
L = 16
CHUNK = 128
EPADDED = 327680
N_CHUNKS = 160
E_PER_W = EPADDED // NS
NPAD = 10112
ROWS_PER_W = NPAD // NS
EP = EPADDED // 2



def _emb_body(x_ref, w_ref, b_ref, g_ref, bb_ref, o_ref, osp_ref):
    h = jnp.dot(x_ref[...], w_ref[...], preferred_element_type=jnp.float32)
    h = h + b_ref[...]
    mu = jnp.mean(h, axis=1, keepdims=True)
    var = jnp.mean((h - mu) ** 2, axis=1, keepdims=True)
    h = (h - mu) / jnp.sqrt(var + 1e-5) * g_ref[...] + bb_ref[...]
    h = jnp.maximum(h, 0.0)
    o_ref[...] = h
    osp_ref[0] = h[:, :HALF]
    osp_ref[1] = h[:, HALF:]


def _node_embed(x2, W_emb, b_emb, ln_g, ln_b):
    return pl.pallas_call(
        _emb_body,
        out_shape=[jax.ShapeDtypeStruct((N_NODES, HIDDEN), jnp.float32),
                   jax.ShapeDtypeStruct((2, N_NODES, HALF), jnp.float32)],
    )(x2, W_emb, b_emb, ln_g, ln_b)


_BE = 16384


def _edge_body(a_ref, w_ref, b_ref, o_ref):
    e = jnp.dot(a_ref[...], w_ref[0], preferred_element_type=jnp.float32)
    o_ref[...] = e + b_ref[0]



def _edge_embed(attr2, W2, b2):
    return pl.pallas_call(
        _edge_body,
        grid=(NC, EP // _BE),
        in_specs=[
            pl.BlockSpec((_BE, 32), lambda c, i: (i, 0)),
            pl.BlockSpec((1, 32, HIDDEN), lambda c, i: (c, 0, 0)),
            pl.BlockSpec((8, HIDDEN), lambda c, i: (c, 0)),
        ],
        out_specs=pl.BlockSpec((_BE, HIDDEN),
                               lambda c, i: (c * (EP // _BE) + i, 0)),
        out_shape=jax.ShapeDtypeStruct((NC * EP, HIDDEN), jnp.float32),
    )(attr2, W2, b2)



def _sc_aggregate_body(h_hbm, ep_hbm, src_hbm, dst_hbm, z_hbm, out_hbm,
                       acc, src_a, dst_a, src_b, dst_b,
                       hs_a, hs_b, e_a, e_b, out_v,
                       gsem_a, gsem_b, esem_a, esem_b, isem_a, isem_b):
    c = lax.axis_index("c")
    s = lax.axis_index("s")
    pltpu.sync_copy(z_hbm, acc.at[pl.ds(s * ROWS_PER_W, ROWS_PER_W)])
    plsc.subcore_barrier()

    e_base0 = s * E_PER_W
    ep0 = c * EP + s * (E_PER_W // 2)
    coff_h = c * N_NODES

    def load_idx(i, sv, dv, isem):
        base = e_base0 + i * CHUNK
        pltpu.async_copy(src_hbm.at[pl.ds(base, CHUNK)], sv, isem)
        pltpu.async_copy(dst_hbm.at[pl.ds(base, CHUNK)], dv, isem)

    def wait_idx(i, sv, dv, isem):
        base = e_base0 + i * CHUNK
        pltpu.make_async_copy(src_hbm.at[pl.ds(base, CHUNK)], sv, isem).wait()
        pltpu.make_async_copy(dst_hbm.at[pl.ds(base, CHUNK)], dv, isem).wait()
        for k in range(CHUNK // L):
            sv[pl.ds(k * L, L)] = sv[pl.ds(k * L, L)] + coff_h

    def load(i, sv, hs, eb, gsem, esem):
        pltpu.async_copy(h_hbm.at[sv], hs, gsem)
        pltpu.async_copy(
            ep_hbm.at[pl.ds(ep0 + i * (CHUNK // 2), CHUNK // 2)], eb, esem)

    def wait_load(i, sv, hs, eb, gsem, esem):
        pltpu.make_async_copy(h_hbm.at[sv], hs, gsem).wait()
        pltpu.make_async_copy(
            ep_hbm.at[pl.ds(ep0 + i * (CHUNK // 2), CHUNK // 2)], eb, esem).wait()

    def compute_scatter(dv, hs, eb):
        nq = HALF // L

        def pair_body(jp, carry2):
            keys = [(2 * jp + half, half, q) for half in range(2)
                    for q in range(nq)]
            hv = [hs[j, pl.ds(q * L, L)] for (j, _, q) in keys]
            ev = [eb[jp, pl.ds(half * HALF + q * L, L)]
                  for (_, half, q) in keys]
            t = [a + b for a, b in zip(hv, ev)]
            t = [jnp.maximum(a, 0.0) for a in t]
            ms = [a + EPS for a in t]
            exs = [jnp.exp(a) for a in ms]
            prs = [a * b for a, b in zip(ms, exs)]
            for k, (j, _, q) in enumerate(keys):
                out_v[j, pl.ds(q * L, L)] = prs[k]
            for k, (j, _, q) in enumerate(keys):
                out_v[j, pl.ds(HALF + q * L, L)] = exs[k]
            return carry2

        lax.fori_loop(0, CHUNK // 2, pair_body, 0)
        pltpu.sync_copy(out_v, acc.at[dv], add=True)

    load_idx(0, src_a, dst_a, isem_a)
    wait_idx(0, src_a, dst_a, isem_a)
    load(0, src_a, hs_a, e_a, gsem_a, esem_a)
    load_idx(1, src_b, dst_b, isem_b)

    def body(t, carry):
        i0 = 2 * t
        i1 = i0 + 1
        wait_idx(i1, src_b, dst_b, isem_b)
        load(i1, src_b, hs_b, e_b, gsem_b, esem_b)
        wait_load(i0, src_a, hs_a, e_a, gsem_a, esem_a)
        compute_scatter(dst_a, hs_a, e_a)

        @pl.when(t < N_CHUNKS // 2 - 1)
        def _():
            load_idx(i0 + 2, src_a, dst_a, isem_a)

        wait_load(i1, src_b, hs_b, e_b, gsem_b, esem_b)
        compute_scatter(dst_b, hs_b, e_b)

        @pl.when(t < N_CHUNKS // 2 - 1)
        def _():
            load_idx(i1 + 2, src_b, dst_b, isem_b)
            wait_idx(i0 + 2, src_a, dst_a, isem_a)
            load(i0 + 2, src_a, hs_a, e_a, gsem_a, esem_a)

        return carry

    lax.fori_loop(0, N_CHUNKS // 2, body, 0)
    plsc.subcore_barrier()
    pltpu.sync_copy(
        acc.at[pl.ds(s * ROWS_PER_W, ROWS_PER_W)],
        out_hbm.at[pl.ds(c * NPAD + s * ROWS_PER_W, ROWS_PER_W)],
    )


@functools.lru_cache(maxsize=1)
def _make_sc_aggregate():
    return functools.partial(
        pl.kernel,
        out_type=jax.ShapeDtypeStruct((NC * NPAD, HIDDEN), jnp.float32),
        mesh=plsc.VectorSubcoreMesh(
            core_axis_name="c", subcore_axis_name="s",
            num_cores=NC, num_subcores=NS,
        ),
        compiler_params=pltpu.CompilerParams(use_tc_tiling_on_sc=False),
        scratch_types=[
            pltpu.VMEM_SHARED((NPAD, HIDDEN), jnp.float32),
            pltpu.VMEM((CHUNK,), jnp.int32),
            pltpu.VMEM((CHUNK,), jnp.int32),
            pltpu.VMEM((CHUNK,), jnp.int32),
            pltpu.VMEM((CHUNK,), jnp.int32),
            pltpu.VMEM((CHUNK, HALF), jnp.float32),
            pltpu.VMEM((CHUNK, HALF), jnp.float32),
            pltpu.VMEM((CHUNK // 2, HIDDEN), jnp.float32),
            pltpu.VMEM((CHUNK // 2, HIDDEN), jnp.float32),
            pltpu.VMEM((CHUNK, HIDDEN), jnp.float32),
            pltpu.SemaphoreType.DMA,
            pltpu.SemaphoreType.DMA,
            pltpu.SemaphoreType.DMA,
            pltpu.SemaphoreType.DMA,
            pltpu.SemaphoreType.DMA,
            pltpu.SemaphoreType.DMA,
        ],
    )(_sc_aggregate_body)


def _sc_aggregate(h, ep, src, dst, zrows):
    return _make_sc_aggregate()(h, ep, src, dst, zrows)



def _mlp_body(h_ref, acc_ref,
              w0, b0, w1, b1, w2, b2, w3, b3, w4, b4,
              g0, bb0, g1, bb1, g2, bb2, g3, bb3,
              wd, bd, o_ref):
    h = h_ref[...]
    a0 = acc_ref[0][:N_NODES]
    a1 = acc_ref[1][:N_NODES]
    p = jnp.concatenate([a0[:, :HALF], a1[:, :HALF]], axis=1)
    dn = jnp.concatenate([a0[:, HALF:], a1[:, HALF:]], axis=1)
    z = p / (dn + 1e-16) + h
    ws = (w0, w1, w2, w3, w4)
    bs = (b0, b1, b2, b3, b4)
    gs = (g0, g1, g2, g3)
    bbs = (bb0, bb1, bb2, bb3)
    for i in range(5):
        z = jnp.dot(z, ws[i][...], preferred_element_type=jnp.float32) + bs[i][...]
        if i < 4:
            mu = jnp.mean(z, axis=0, keepdims=True)
            var = jnp.mean((z - mu) ** 2, axis=0, keepdims=True)
            z = (z - mu) / jnp.sqrt(var + 1e-5) * gs[i][...] + bbs[i][...]
            z = jnp.maximum(z, 0.0)
    z = jnp.maximum(z, 0.0)
    z = jnp.dot(z, wd[...], preferred_element_type=jnp.float32) + bd[...]
    o_ref[...] = z


def _combine_mlp(h, acc, mlp_Ws, mlp_bs, bn_gs, bn_bs, W_dec, b_dec):
    args = [h, acc]
    for w, b in zip(mlp_Ws, mlp_bs):
        args += [w, b]
    for g, b in zip(bn_gs, bn_bs):
        args += [g, b]
    args += [W_dec, b_dec]
    return pl.pallas_call(
        _mlp_body,
        out_shape=jax.ShapeDtypeStruct((N_NODES, HIDDEN), jnp.float32),
    )(*args)



def kernel(x, edge_index, edge_attr, W_emb, b_emb, ln_g, ln_b, W_edge, b_edge,
           mlp_W0, mlp_b0, mlp_W1, mlp_b1, mlp_W2, mlp_b2, mlp_W3, mlp_b3,
           mlp_W4, mlp_b4, bn_g0, bn_b0, bn_g1, bn_b1, bn_g2, bn_b2, bn_g3,
           bn_b3, W_dec, b_dec):
    x2 = x.reshape(N_NODES, -1)
    h, hsp = _node_embed(x2, W_emb, b_emb, ln_g, ln_b)

    zero16 = jnp.zeros((16, HALF), jnp.float32)
    W2 = jnp.stack([
        jnp.concatenate([
            jnp.concatenate([W_edge[:, c * HALF:(c + 1) * HALF], zero16], axis=1),
            jnp.concatenate([zero16, W_edge[:, c * HALF:(c + 1) * HALF]], axis=1),
        ], axis=0)
        for c in range(NC)
    ])
    b2 = jnp.stack([
        jnp.concatenate([b_edge[c * HALF:(c + 1) * HALF]] * 2)
        for c in range(NC)
    ])
    b2 = jnp.broadcast_to(b2[:, None, :], (NC, 8, HIDDEN)).reshape(NC * 8, HIDDEN)
    attr2 = edge_attr.reshape(N_EDGES // 2, 32)
    ep = _edge_embed(attr2, W2, b2)
    npad_e = EPADDED - N_EDGES

    src = jnp.pad(edge_index[0], (0, npad_e))
    dst = jnp.pad(edge_index[1], (0, npad_e), constant_values=NPAD - 1)
    zrows = jnp.zeros((ROWS_PER_W, HIDDEN), jnp.float32)
    acc = _sc_aggregate(hsp.reshape(NC * N_NODES, HALF), ep, src, dst, zrows)
    z = _combine_mlp(h, acc.reshape(NC, NPAD, HIDDEN),
                     (mlp_W0, mlp_W1, mlp_W2, mlp_W3, mlp_W4),
                     (mlp_b0, mlp_b1, mlp_b2, mlp_b3, mlp_b4),
                     (bn_g0, bn_g1, bn_g2, bn_g3),
                     (bn_b0, bn_b1, bn_b2, bn_b3),
                     W_dec, b_dec)
    return z.reshape(N_NODES, HIDDEN // 2, 2)

# --- scband reference (transcript-rebuilt; emitter-appended) ---
"""Pipeline reference for scband-genconv-nn-57354993270880 (READ-ONLY COPY).

The authoritative reference and input builder live on the scoring server;
editing this copy changes nothing except your own understanding.
"""

import jax, jax.numpy as jnp
import numpy as np

N_NODES = 10000
N_EDGES = 320000
IN_FEAT = 64
INPUT_SIZE = 2
HIDDEN = 128
EDGE_DIM = 16
FH = 2
OUT_FEAT = 64
EPS = 1e-7
T = 1.0


def setup_inputs(seed: int = 0):
    key = jax.random.key(seed)
    ks = jax.random.split(key, 16)
    inp = {}
    inp['x'] = jax.random.normal(ks[0], (N_NODES, IN_FEAT, INPUT_SIZE), dtype=jnp.float32)
    inp['edge_index'] = jax.random.randint(ks[1], (2, N_EDGES), 0, N_NODES, dtype=jnp.int32)
    inp['edge_attr'] = jax.random.normal(ks[2], (N_EDGES, EDGE_DIM), dtype=jnp.float32)
    s = 1.0 / np.sqrt(IN_FEAT * INPUT_SIZE)
    inp['W_emb'] = jax.random.uniform(ks[3], (IN_FEAT * INPUT_SIZE, HIDDEN), minval=-s, maxval=s, dtype=jnp.float32)
    inp['b_emb'] = jnp.zeros((HIDDEN,), dtype=jnp.float32)
    inp['ln_g'] = jnp.ones((HIDDEN,), dtype=jnp.float32)
    inp['ln_b'] = jnp.zeros((HIDDEN,), dtype=jnp.float32)
    se = 1.0 / np.sqrt(EDGE_DIM)
    inp['W_edge'] = jax.random.uniform(ks[4], (EDGE_DIM, HIDDEN), minval=-se, maxval=se, dtype=jnp.float32)
    inp['b_edge'] = jnp.zeros((HIDDEN,), dtype=jnp.float32)
    dims = [HIDDEN, HIDDEN * 2, HIDDEN * 2, HIDDEN * 2, HIDDEN * 2, HIDDEN]
    for i in range(5):
        sm = 1.0 / np.sqrt(dims[i])
        inp['mlp_W%d' % i] = jax.random.uniform(ks[5 + i], (dims[i], dims[i + 1]), minval=-sm, maxval=sm, dtype=jnp.float32)
        inp['mlp_b%d' % i] = jnp.zeros((dims[i + 1],), dtype=jnp.float32)
    for i in range(4):
        inp['bn_g%d' % i] = jnp.ones((dims[i + 1],), dtype=jnp.float32)
        inp['bn_b%d' % i] = jnp.zeros((dims[i + 1],), dtype=jnp.float32)
    sd = 1.0 / np.sqrt(HIDDEN)
    inp['W_dec'] = jax.random.uniform(ks[10], (HIDDEN, OUT_FEAT * FH), minval=-sd, maxval=sd, dtype=jnp.float32)
    inp['b_dec'] = jnp.zeros((OUT_FEAT * FH,), dtype=jnp.float32)
    return inp


def _layernorm(x, g, b):
    mu = jnp.mean(x, axis=-1, keepdims=True)
    var = jnp.var(x, axis=-1, keepdims=True)
    return (x - mu) / jnp.sqrt(var + 1e-5) * g + b


def _batchnorm(x, g, b):
    mu = jnp.mean(x, axis=0, keepdims=True)
    var = jnp.var(x, axis=0, keepdims=True)
    return (x - mu) / jnp.sqrt(var + 1e-5) * g + b


def _forward(x, edge_attr, W_emb, b_emb, ln_g, ln_b, W_edge, b_edge, mlp_Ws, mlp_bs, bn_gs, bn_bs, W_dec, b_dec, edge_index):
    h = x.reshape(x.shape[0], -1)
    h = h @ W_emb + b_emb
    h = jax.nn.relu(_layernorm(h, ln_g, ln_b))
    src = edge_index[0]
    dst = edge_index[1]
    e = edge_attr @ W_edge + b_edge
    msg = jax.nn.relu(h[src] + e) + EPS
    gate = msg * T
    seg_max = jax.ops.segment_max(gate, dst, num_segments=N_NODES)
    seg_max = jnp.where(jnp.isfinite(seg_max), seg_max, 0.0)
    seg_max = jax.lax.stop_gradient(seg_max)
    ex = jnp.exp(gate - seg_max[dst])
    denom = jax.ops.segment_sum(ex, dst, num_segments=N_NODES)
    alpha = ex / (denom[dst] + 1e-16)
    out = jax.ops.segment_sum(msg * alpha, dst, num_segments=N_NODES)
    out = out + h
    z = out
    for i in range(5):
        z = z @ mlp_Ws[i] + mlp_bs[i]
        if i < 4:
            z = _batchnorm(z, bn_gs[i], bn_bs[i])
            z = jax.nn.relu(z)
    z = jax.nn.relu(z)
    z = z @ W_dec + b_dec
    return z.reshape(z.shape[0], z.shape[1] // FH, FH)


def reference(x, edge_index, edge_attr, W_emb, b_emb, ln_g, ln_b, W_edge, b_edge, mlp_W0, mlp_b0, mlp_W1, mlp_b1, mlp_W2, mlp_b2, mlp_W3, mlp_b3, mlp_W4, mlp_b4, bn_g0, bn_b0, bn_g1, bn_b1, bn_g2, bn_b2, bn_g3, bn_b3, W_dec, b_dec):
    mlp_Ws = [mlp_W0, mlp_W1, mlp_W2, mlp_W3, mlp_W4]
    mlp_bs = [mlp_b0, mlp_b1, mlp_b2, mlp_b3, mlp_b4]
    bn_gs = [bn_g0, bn_g1, bn_g2, bn_g3]
    bn_bs = [bn_b0, bn_b1, bn_b2, bn_b3]
    return _forward(x, edge_attr, W_emb, b_emb, ln_g, ln_b, W_edge, b_edge, mlp_Ws, mlp_bs, bn_gs, bn_bs, W_dec, b_dec, edge_index)

if __name__ == "__main__":
    import jax
    _d = setup_inputs()
    print(jax.jit(kernel)(*tuple(_d.values())))

</pallas_src>

<mosaic_0001>
#map = affine_map<(d0, d1) -> (0, 0)>
#map1 = affine_map<(d0, d1) -> (0)>
module attributes {stable_mosaic.version = 14 : i64} {
  func.func @_sc_aggregate_body(%arg0: i32, %arg1: i32, %arg2: memref<20000x64xf32, #tpu.memory_space<hbm>>, %arg3: memref<327680x128xf32, #tpu.memory_space<hbm>>, %arg4: memref<327680xi32, #tpu.memory_space<hbm>>, %arg5: memref<327680xi32, #tpu.memory_space<hbm>>, %arg6: memref<632x128xf32, #tpu.memory_space<hbm>>, %arg7: memref<20224x128xf32, #tpu.memory_space<hbm>>, %arg8: memref<10112x128xf32, #tpu.memory_space<vmem_shared>>, %arg9: memref<128xi32, #tpu.memory_space<vmem>>, %arg10: memref<128xi32, #tpu.memory_space<vmem>>, %arg11: memref<128xi32, #tpu.memory_space<vmem>>, %arg12: memref<128xi32, #tpu.memory_space<vmem>>, %arg13: memref<128x64xf32, #tpu.memory_space<vmem>>, %arg14: memref<128x64xf32, #tpu.memory_space<vmem>>, %arg15: memref<64x128xf32, #tpu.memory_space<vmem>>, %arg16: memref<64x128xf32, #tpu.memory_space<vmem>>, %arg17: memref<128x128xf32, #tpu.memory_space<vmem>>, %arg18: memref<!tpu.dma_semaphore, #tpu.memory_space<semaphore_mem>>, %arg19: memref<!tpu.dma_semaphore, #tpu.memory_space<semaphore_mem>>, %arg20: memref<!tpu.dma_semaphore, #tpu.memory_space<semaphore_mem>>, %arg21: memref<!tpu.dma_semaphore, #tpu.memory_space<semaphore_mem>>, %arg22: memref<!tpu.dma_semaphore, #tpu.memory_space<semaphore_mem>>, %arg23: memref<!tpu.dma_semaphore, #tpu.memory_space<semaphore_mem>>) attributes {dimension_semantics = [#tpu.dimension_semantics<core_parallel>, #tpu.dimension_semantics<subcore_parallel>], iteration_bounds = array<i64: 2, 16>, scalar_prefetch = 0 : i64, scratch_operands = 16 : i64, tpu.core_type = #tpu.core_type<sc_vector_subcore>, window_params = [{transform_indices = #map}, {transform_indices = #map}, {transform_indices = #map1}, {transform_indices = #map1}, {transform_indices = #map}, {transform_indices = #map}]} {
    %mul3A = arith.constant 632 : i32
    %mul3A_0 = arith.muli %arg1, %mul3A : i32
    "tpu.region"() ({
      %run_scoped3A = tpu.sem_alloc : memref<!tpu.dma_semaphore, #tpu.memory_space<semaphore_mem>>
      %dma_start3A_117 = arith.constant 0 : i32
      %dma_start3A_118 = tpu.memref_slice %arg8[%mul3A_0, %dma_start3A_117] : memref<10112x128xf32, #tpu.memory_space<vmem_shared>> -> memref<632x128xf32, #tpu.memory_space<vmem_shared>>
      tpu.enqueue_dma source(%arg6 : memref<632x128xf32, #tpu.memory_space<hbm>>) target(%dma_start3A_118 : memref<632x128xf32, #tpu.memory_space<vmem_shared>>) target_semaphore(%run_scoped3A : memref<!tpu.dma_semaphore, #tpu.memory_space<semaphore_mem>>)
      %dma_wait3A_119 = arith.constant 0 : i32
      %dma_wait3A_120 = tpu.memref_slice %arg8[%mul3A_0, %dma_wait3A_119] : memref<10112x128xf32, #tpu.memory_space<vmem_shared>> -> memref<632x128xf32, #tpu.memory_space<vmem_shared>>
      tpu.wait_dma2 semaphore(%run_scoped3A : memref<!tpu.dma_semaphore, #tpu.memory_space<semaphore_mem>>) src(%arg6 : memref<632x128xf32, #tpu.memory_space<hbm>>) dst(%dma_wait3A_120 : memref<632x128xf32, #tpu.memory_space<vmem_shared>>)
      tpu.yield
    }) : () -> ()
    %barrier3A = arith.constant 0 : index
    tpu.barrier barrier_id(%barrier3A)
    %mul3A_1 = arith.constant 20480 : i32
    %mul3A_2 = arith.muli %arg1, %mul3A_1 : i32
    %mul3A_3 = arith.constant 163840 : i32
    %mul3A_4 = arith.muli %arg0, %mul3A_3 : i32
    %mul3A_5 = arith.constant 10240 : i32
    %mul3A_6 = arith.muli %arg1, %mul3A_5 : i32
    %add3A = arith.addi %mul3A_4, %mul3A_6 : i32
    %mul3A_7 = arith.constant 10000 : i32
    %mul3A_8 = arith.muli %arg0, %mul3A_7 : i32
    %add3A_9 = arith.constant 0 : i32
    %add3A_10 = arith.addi %mul3A_2, %add3A_9 : i32
    %dma_start3A = tpu.memref_slice %arg4[%add3A_10] : memref<327680xi32, #tpu.memory_space<hbm>> -> memref<128xi32, #tpu.memory_space<hbm>>
    %dma_start3A_11 = tpu.memref_slice %arg4[%add3A_10] : memref<327680xi32, #tpu.memory_space<hbm>> -> memref<128xi32, #tpu.memory_space<hbm>>
    tpu.enqueue_dma source(%dma_start3A_11 : memref<128xi32, #tpu.memory_space<hbm>>) target(%arg9 : memref<128xi32, #tpu.memory_space<vmem>>) target_semaphore(%arg22 : memref<!tpu.dma_semaphore, #tpu.memory_space<semaphore_mem>>)
    %dma_start3A_12 = tpu.memref_slice %arg5[%add3A_10] : memref<327680xi32, #tpu.memory_space<hbm>> -> memref<128xi32, #tpu.memory_space<hbm>>
    %dma_start3A_13 = tpu.memref_slice %arg5[%add3A_10] : memref<327680xi32, #tpu.memory_space<hbm>> -> memref<128xi32, #tpu.memory_space<hbm>>
    tpu.enqueue_dma source(%dma_start3A_13 : memref<128xi32, #tpu.memory_space<hbm>>) target(%arg10 : memref<128xi32, #tpu.memory_space<vmem>>) target_semaphore(%arg22 : memref<!tpu.dma_semaphore, #tpu.memory_space<semaphore_mem>>)
    %add3A_14 = arith.constant 0 : i32
    %add3A_15 = arith.addi %mul3A_2, %add3A_14 : i32
    %dma_wait3A = tpu.memref_slice %arg4[%add3A_15] : memref<327680xi32, #tpu.memory_space<hbm>> -> memref<128xi32, #tpu.memory_space<hbm>>
    %dma_wait3A_16 = tpu.memref_slice %arg4[%add3A_15] : memref<327680xi32, #tpu.memory_space<hbm>> -> memref<128xi32, #tpu.memory_space<hbm>>
    tpu.wait_dma2 semaphore(%arg22 : memref<!tpu.dma_semaphore, #tpu.memory_space<semaphore_mem>>) src(%dma_wait3A_16 : memref<128xi32, #tpu.memory_space<hbm>>) dst(%arg9 : memref<128xi32, #tpu.memory_space<vmem>>)
    %dma_wait3A_17 = tpu.memref_slice %arg5[%add3A_15] : memref<327680xi32, #tpu.memory_space<hbm>> -> memref<128xi32, #tpu.memory_space<hbm>>
    %dma_wait3A_18 = tpu.memref_slice %arg5[%add3A_15] : memref<327680xi32, #tpu.memory_space<hbm>> -> memref<128xi32, #tpu.memory_space<hbm>>
    tpu.wait_dma2 semaphore(%arg22 : memref<!tpu.dma_semaphore, #tpu.memory_space<semaphore_mem>>) src(%dma_wait3A_18 : memref<128xi32, #tpu.memory_space<hbm>>) dst(%arg10 : memref<128xi32, #tpu.memory_space<vmem>>)
    %get3A = arith.constant 0 : index
    %get3A_19 = tpu.vector_load %arg9[%get3A] {strides = array<i32>} : memref<128xi32, #tpu.memory_space<vmem>>, vector<16xi32>,
    %get3A_20 = vector.shape_cast %get3A_19 : vector<16xi32> to vector<16xi32>
    %add3A_21 = vector.broadcast %mul3A_8 : i32 to vector<16xi32>
    %add3A_22 = arith.addi %get3A_20, %add3A_21 : vector<16xi32>
    %swap3A = arith.constant 0 : index
    %swap3A_23 = tpu.vector_load %arg9[%swap3A] {strides = array<i32>} : memref<128xi32, #tpu.memory_space<vmem>>, vector<16xi32>,
    %swap3A_24 = vector.shape_cast %swap3A_23 : vector<16xi32> to vector<16xi32>
    %swap3A_25 = vector.shape_cast %add3A_22 : vector<16xi32> to vector<16xi32>
    tpu.vector_store %arg9[%swap3A], %swap3A_25 {strides = array<i32>} : memref<128xi32, #tpu.memory_space<vmem>>, vector<16xi32>,
    %get3A_26 = arith.constant 16 : index
    %get3A_27 = tpu.vector_load %arg9[%get3A_26] {strides = array<i32>} : memref<128xi32, #tpu.memory_space<vmem>>, vector<16xi32>,
    %get3A_28 = vector.shape_cast %get3A_27 : vector<16xi32> to vector<16xi32>
    %add3A_29 = vector.broadcast %mul3A_8 : i32 to vector<16xi32>
    %add3A_30 = arith.addi %get3A_28, %add3A_29 : vector<16xi32>
    %swap3A_31 = arith.constant 16 : index
    %swap3A_32 = tpu.vector_load %arg9[%swap3A_31] {strides = array<i32>} : memref<128xi32, #tpu.memory_space<vmem>>, vector<16xi32>,
    %swap3A_33 = vector.shape_cast %swap3A_32 : vector<16xi32> to vector<16xi32>
    %swap3A_34 = vector.shape_cast %add3A_30 : vector<16xi32> to vector<16xi32>
    tpu.vector_store %arg9[%swap3A_31], %swap3A_34 {strides = array<i32>} : memref<128xi32, #tpu.memory_space<vmem>>, vector<16xi32>,
    %get3A_35 = arith.constant 32 : index
    %get3A_36 = tpu.vector_load %arg9[%get3A_35] {strides = array<i32>} : memref<128xi32, #tpu.memory_space<vmem>>, vector<16xi32>,
    %get3A_37 = vector.shape_cast %get3A_36 : vector<16xi32> to vector<16xi32>
    %add3A_38 = vector.broadcast %mul3A_8 : i32 to vector<16xi32>
    %add3A_39 = arith.addi %get3A_37, %add3A_38 : vector<16xi32>
    %swap3A_40 = arith.constant 32 : index
    %swap3A_41 = tpu.vector_load %arg9[%swap3A_40] {strides = array<i32>} : memref<128xi32, #tpu.memory_space<vmem>>, vector<16xi32>,
    %swap3A_42 = vector.shape_cast %swap3A_41 : vector<16xi32> to vector<16xi32>
    %swap3A_43 = vector.shape_cast %add3A_39 : vector<16xi32> to vector<16xi32>
    tpu.vector_store %arg9[%swap3A_40], %swap3A_43 {strides = array<i32>} : memref<128xi32, #tpu.memory_space<vmem>>, vector<16xi32>,
    %get3A_44 = arith.constant 48 : index
    %get3A_45 = tpu.vector_load %arg9[%get3A_44] {strides = array<i32>} : memref<128xi32, #tpu.memory_space<vmem>>, vector<16xi32>,
    %get3A_46 = vector.shape_cast %get3A_45 : vector<16xi32> to vector<16xi32>
    %add3A_47 = vector.broadcast %mul3A_8 : i32 to vector<16xi32>
    %add3A_48 = arith.addi %get3A_46, %add3A_47 : vector<16xi32>
    %swap3A_49 = arith.constant 48 : index
    %swap3A_50 = tpu.vector_load %arg9[%swap3A_49] {strides = array<i32>} : memref<128xi32, #tpu.memory_space<vmem>>, vector<16xi32>,
    %swap3A_51 = vector.shape_cast %swap3A_50 : vector<16xi32> to vector<16xi32>
    %swap3A_52 = vector.shape_cast %add3A_48 : vector<16xi32> to vector<16xi32>
    tpu.vector_store %arg9[%swap3A_49], %swap3A_52 {strides = array<i32>} : memref<128xi32, #tpu.memory_space<vmem>>, vector<16xi32>,
    %get3A_53 = arith.constant 64 : index
    %get3A_54 = tpu.vector_load %arg9[%get3A_53] {strides = array<i32>} : memref<128xi32, #tpu.memory_space<vmem>>, vector<16xi32>,
    %get3A_55 = vector.shape_cast %get3A_54 : vector<16xi32> to vector<16xi32>
    %add3A_56 = vector.broadcast %mul3A_8 : i32 to vector<16xi32>
    %add3A_57 = arith.addi %get3A_55, %add3A_56 : vector<16xi32>
    %swap3A_58 = arith.constant 64 : index
    %swap3A_59 = tpu.vector_load %arg9[%swap3A_58] {strides = array<i32>} : memref<128xi32, #tpu.memory_space<vmem>>, vector<16xi32>,
    %swap3A_60 = vector.shape_cast %swap3A_59 : vector<16xi32> to vector<16xi32>
    %swap3A_61 = vector.shape_cast %add3A_57 : vector<16xi32> to vector<16xi32>
    tpu.vector_store %arg9[%swap3A_58], %swap3A_61 {strides = array<i32>} : memref<128xi32, #tpu.memory_space<vmem>>, vector<16xi32>,
    %get3A_62 = arith.constant 80 : index
    %get3A_63 = tpu.vector_load %arg9[%get3A_62] {strides = array<i32>} : memref<128xi32, #tpu.memory_space<vmem>>, vector<16xi32>,
    %get3A_64 = vector.shape_cast %get3A_63 : vector<16xi32> to vector<16xi32>
    %add3A_65 = vector.broadcast %mul3A_8 : i32 to vector<16xi32>
    %add3A_66 = arith.addi %get3A_64, %add3A_65 : vector<16xi32>
    %swap3A_67 = arith.constant 80 : index
    %swap3A_68 = tpu.vector_load %arg9[%swap3A_67] {strides = array<i32>} : memref<128xi32, #tpu.memory_space<vmem>>, vector<16xi32>,
    %swap3A_69 = vector.shape_cast %swap3A_68 : vector<16xi32> to vector<16xi32>
    %swap3A_70 = vector.shape_cast %add3A_66 : vector<16xi32> to vector<16xi32>
    tpu.vector_store %arg9[%swap3A_67], %swap3A_70 {strides = array<i32>} : memref<128xi32, #tpu.memory_space<vmem>>, vector<16xi32>,
    %get3A_71 = arith.constant 96 : index
    %get3A_72 = tpu.vector_load %arg9[%get3A_71] {strides = array<i32>} : memref<128xi32, #tpu.memory_space<vmem>>, vector<16xi32>,
    %get3A_73 = vector.shape_cast %get3A_72 : vector<16xi32> to vector<16xi32>
    %add3A_74 = vector.broadcast %mul3A_8 : i32 to vector<16xi32>
    %add3A_75 = arith.addi %get3A_73, %add3A_74 : vector<16xi32>
    %swap3A_76 = arith.constant 96 : index
    %swap3A_77 = tpu.vector_load %arg9[%swap3A_76] {strides = array<i32>} : memref<128xi32, #tpu.memory_space<vmem>>, vector<16xi32>,
    %swap3A_78 = vector.shape_cast %swap3A_77 : vector<16xi32> to vector<16xi32>
    %swap3A_79 = vector.shape_cast %add3A_75 : vector<16xi32> to vector<16xi32>
    tpu.vector_store %arg9[%swap3A_76], %swap3A_79 {strides = array<i32>} : memref<128xi32, #tpu.memory_space<vmem>>, vector<16xi32>,
    %get3A_80 = arith.constant 112 : index
    %get3A_81 = tpu.vector_load %arg9[%get3A_80] {strides = array<i32>} : memref<128xi32, #tpu.memory_space<vmem>>, vector<16xi32>,
    %get3A_82 = vector.shape_cast %get3A_81 : vector<16xi32> to vector<16xi32>
    %add3A_83 = vector.broadcast %mul3A_8 : i32 to vector<16xi32>
    %add3A_84 = arith.addi %get3A_82, %add3A_83 : vector<16xi32>
    %swap3A_85 = arith.constant 112 : index
    %swap3A_86 = tpu.vector_load %arg9[%swap3A_85] {strides = array<i32>} : memref<128xi32, #tpu.memory_space<vmem>>, vector<16xi32>,
    %swap3A_87 = vector.shape_cast %swap3A_86 : vector<16xi32> to vector<16xi32>
    %swap3A_88 = vector.shape_cast %add3A_84 : vector<16xi32> to vector<16xi32>
    tpu.vector_store %arg9[%swap3A_85], %swap3A_88 {strides = array<i32>} : memref<128xi32, #tpu.memory_space<vmem>>, vector<16xi32>,
    %dma_start3A_89 = arith.constant 0 : i32
    %dma_start3A_90 = arith.constant 0 : i32
    %dma_start3A_91 = tpu.memref_slice %arg2[%dma_start3A_89, %dma_start3A_90] : memref<20000x64xf32, #tpu.memory_space<hbm>> -> memref<20000x64xf32, #tpu.memory_space<hbm>>
    tpu.enqueue_indirect_dma source(%dma_start3A_91 : memref<20000x64xf32, #tpu.memory_space<hbm>>) target(%arg13 : memref<128x64xf32, #tpu.memory_space<vmem>>) offsets(%arg9 : memref<128xi32, #tpu.memory_space<vmem>>) semaphore(%arg18 : memref<!tpu.dma_semaphore, #tpu.memory_space<semaphore_mem>>)
    %add3A_92 = arith.constant 0 : i32
    %add3A_93 = arith.addi %add3A, %add3A_92 : i32
    %dma_start3A_94 = arith.constant 0 : i32
    %dma_start3A_95 = tpu.memref_slice %arg3[%add3A_93, %dma_start3A_94] : memref<327680x128xf32, #tpu.memory_space<hbm>> -> memref<64x128xf32, #tpu.memory_space<hbm>>
    %dma_start3A_96 = arith.constant 0 : i32
    %dma_start3A_97 = tpu.memref_slice %arg3[%add3A_93, %dma_start3A_96] : memref<327680x128xf32, #tpu.memory_space<hbm>> -> memref<64x128xf32, #tpu.memory_space<hbm>>
    tpu.enqueue_dma source(%dma_start3A_97 : memref<64x128xf32, #tpu.memory_space<hbm>>) target(%arg15 : memref<64x128xf32, #tpu.memory_space<vmem>>) target_semaphore(%arg20 : memref<!tpu.dma_semaphore, #tpu.memory_space<semaphore_mem>>)
    %add3A_98 = arith.constant 128 : i32
    %add3A_99 = arith.addi %mul3A_2, %add3A_98 : i32
    %dma_start3A_100 = tpu.memref_slice %arg4[%add3A_99] : memref<327680xi32, #tpu.memory_space<hbm>> -> memref<128xi32, #tpu.memory_space<hbm>>
    %dma_start3A_101 = tpu.memref_slice %arg4[%add3A_99] : memref<327680xi32, #tpu.memory_space<hbm>> -> memref<128xi32, #tpu.memory_space<hbm>>
    tpu.enqueue_dma source(%dma_start3A_101 : memref<128xi32, #tpu.memory_space<hbm>>) target(%arg11 : memref<128xi32, #tpu.memory_space<vmem>>) target_semaphore(%arg23 : memref<!tpu.dma_semaphore, #tpu.memory_space<semaphore_mem>>)
    %dma_start3A_102 = tpu.memref_slice %arg5[%add3A_99] : memref<327680xi32, #tpu.memory_space<hbm>> -> memref<128xi32, #tpu.memory_space<hbm>>
    %dma_start3A_103 = tpu.memref_slice %arg5[%add3A_99] : memref<327680xi32, #tpu.memory_space<hbm>> -> memref<128xi32, #tpu.memory_space<hbm>>
    tpu.enqueue_dma source(%dma_start3A_103 : memref<128xi32, #tpu.memory_space<hbm>>) target(%arg12 : memref<128xi32, #tpu.memory_space<vmem>>) target_semaphore(%arg23 : memref<!tpu.dma_semaphore, #tpu.memory_space<semaphore_mem>>)
    %scan3A = arith.constant 0 : i32
    %scan3A_104 = arith.constant 0 : i32
    %scan3A_105 = arith.constant 80 : i32
    %scan3A_106 = arith.addi %scan3A_104, %scan3A_105 : i32
    %scan3A_107 = arith.constant 1 : i32
    scf.for %scan3A_117 = %scan3A_104 to %scan3A_106 step %scan3A_107  : i32 {
      %mul3A_118 = arith.constant 2 : i32
      %mul3A_119 = arith.muli %mul3A_118, %scan3A_117 : i32
      %add3A_120 = arith.constant 1 : i32
      %add3A_121 = arith.addi %mul3A_119, %add3A_120 : i32
      %mul3A_122 = arith.constant 128 : i32
      %mul3A_123 = arith.muli %add3A_121, %mul3A_122 : i32
      %add3A_124 = arith.addi %mul3A_2, %mul3A_123 : i32
      %dma_wait3A_125 = tpu.memref_slice %arg4[%add3A_124] : memref<327680xi32, #tpu.memory_space<hbm>> -> memref<128xi32, #tpu.memory_space<hbm>>
      %dma_wait3A_126 = tpu.memref_slice %arg4[%add3A_124] : memref<327680xi32, #tpu.memory_space<hbm>> -> memref<128xi32, #tpu.memory_space<hbm>>
      tpu.wait_dma2 semaphore(%arg23 : memref<!tpu.dma_semaphore, #tpu.memory_space<semaphore_mem>>) src(%dma_wait3A_126 : memref<128xi32, #tpu.memory_space<hbm>>) dst(%arg11 : memref<128xi32, #tpu.memory_space<vmem>>)
      %dma_wait3A_127 = tpu.memref_slice %arg5[%add3A_124] : memref<327680xi32, #tpu.memory_space<hbm>> -> memref<128xi32, #tpu.memory_space<hbm>>
      %dma_wait3A_128 = tpu.memref_slice %arg5[%add3A_124] : memref<327680xi32, #tpu.memory_space<hbm>> -> memref<128xi32, #tpu.memory_space<hbm>>
      tpu.wait_dma2 semaphore(%arg23 : memref<!tpu.dma_semaphore, #tpu.memory_space<semaphore_mem>>) src(%dma_wait3A_128 : memref<128xi32, #tpu.memory_space<hbm>>) dst(%arg12 : memref<128xi32, #tpu.memory_space<vmem>>)
      %get3A_129 = arith.constant 0 : index
      %get3A_130 = tpu.vector_load %arg11[%get3A_129] {strides = array<i32>} : memref<128xi32, #tpu.memory_space<vmem>>, vector<16xi32>,
      %get3A_131 = vector.shape_cast %get3A_130 : vector<16xi32> to vector<16xi32>
      %add3A_132 = vector.broadcast %mul3A_8 : i32 to vector<16xi32>
      %add3A_133 = arith.addi %get3A_131, %add3A_132 : vector<16xi32>
      %swap3A_134 = arith.constant 0 : index
      %swap3A_135 = tpu.vector_load %arg11[%swap3A_134] {strides = array<i32>} : memref<128xi32, #tpu.memory_space<vmem>>, vector<16xi32>,
      %swap3A_136 = vector.shape_cast %swap3A_135 : vector<16xi32> to vector<16xi32>
      %swap3A_137 = vector.shape_cast %add3A_133 : vector<16xi32> to vector<16xi32>
      tpu.vector_store %arg11[%swap3A_134], %swap3A_137 {strides = array<i32>} : memref<128xi32, #tpu.memory_space<vmem>>, vector<16xi32>,
      %get3A_138 = arith.constant 16 : index
      %get3A_139 = tpu.vector_load %arg11[%get3A_138] {strides = array<i32>} : memref<128xi32, #tpu.memory_space<vmem>>, vector<16xi32>,
      %get3A_140 = vector.shape_cast %get3A_139 : vector<16xi32> to vector<16xi32>
      %add3A_141 = vector.broadcast %mul3A_8 : i32 to vector<16xi32>
      %add3A_142 = arith.addi %get3A_140, %add3A_141 : vector<16xi32>
      %swap3A_143 = arith.constant 16 : index
      %swap3A_144 = tpu.vector_load %arg11[%swap3A_143] {strides = array<i32>} : memref<128xi32, #tpu.memory_space<vmem>>, vector<16xi32>,
      %swap3A_145 = vector.shape_cast %swap3A_144 : vector<16xi32> to vector<16xi32>
      %swap3A_146 = vector.shape_cast %add3A_142 : vector<16xi32> to vector<16xi32>
      tpu.vector_store %arg11[%swap3A_143], %swap3A_146 {strides = array<i32>} : memref<128xi32, #tpu.memory_space<vmem>>, vector<16xi32>,
      %get3A_147 = arith.constant 32 : index
      %get3A_148 = tpu.vector_load %arg11[%get3A_147] {strides = array<i32>} : memref<128xi32, #tpu.memory_space<vmem>>, vector<16xi32>,
      %get3A_149 = vector.shape_cast %get3A_148 : vector<16xi32> to vector<16xi32>
      %add3A_150 = vector.broadcast %mul3A_8 : i32 to vector<16xi32>
      %add3A_151 = arith.addi %get3A_149, %add3A_150 : vector<16xi32>
      %swap3A_152 = arith.constant 32 : index
      %swap3A_153 = tpu.vector_load %arg11[%swap3A_152] {strides = array<i32>} : memref<128xi32, #tpu.memory_space<vmem>>, vector<16xi32>,
      %swap3A_154 = vector.shape_cast %swap3A_153 : vector<16xi32> to vector<16xi32>
      %swap3A_155 = vector.shape_cast %add3A_151 : vector<16xi32> to vector<16xi32>
      tpu.vector_store %arg11[%swap3A_152], %swap3A_155 {strides = array<i32>} : memref<128xi32, #tpu.memory_space<vmem>>, vector<16xi32>,
      %get3A_156 = arith.constant 48 : index
      %get3A_157 = tpu.vector_load %arg11[%get3A_156] {strides = array<i32>} : memref<128xi32, #tpu.memory_space<vmem>>, vector<16xi32>,
      %get3A_158 = vector.shape_cast %get3A_157 : vector<16xi32> to vector<16xi32>
      %add3A_159 = vector.broadcast %mul3A_8 : i32 to vector<16xi32>
      %add3A_160 = arith.addi %get3A_158, %add3A_159 : vector<16xi32>
      %swap3A_161 = arith.constant 48 : index
      %swap3A_162 = tpu.vector_load %arg11[%swap3A_161] {strides = array<i32>} : memref<128xi32, #tpu.memory_space<vmem>>, vector<16xi32>,
      %swap3A_163 = vector.shape_cast %swap3A_162 : vector<16xi32> to vector<16xi32>
      %swap3A_164 = vector.shape_cast %add3A_160 : vector<16xi32> to vector<16xi32>
      tpu.vector_store %arg11[%swap3A_161], %swap3A_164 {strides = array<i32>} : memref<128xi32, #tpu.memory_space<vmem>>, vector<16xi32>,
      %get3A_165 = arith.constant 64 : index
      %get3A_166 = tpu.vector_load %arg11[%get3A_165] {strides = array<i32>} : memref<128xi32, #tpu.memory_space<vmem>>, vector<16xi32>,
      %get3A_167 = vector.shape_cast %get3A_166 : vector<16xi32> to vector<16xi32>
      %add3A_168 = vector.broadcast %mul3A_8 : i32 to vector<16xi32>
      %add3A_169 = arith.addi %get3A_167, %add3A_168 : vector<16xi32>
      %swap3A_170 = arith.constant 64 : index
      %swap3A_171 = tpu.vector_load %arg11[%swap3A_170] {strides = array<i32>} : memref<128xi32, #tpu.memory_space<vmem>>, vector<16xi32>,
      %swap3A_172 = vector.shape_cast %swap3A_171 : vector<16xi32> to vector<16xi32>
      %swap3A_173 = vector.shape_cast %add3A_169 : vector<16xi32> to vector<16xi32>
      tpu.vector_store %arg11[%swap3A_170], %swap3A_173 {strides = array<i32>} : memref<128xi32, #tpu.memory_space<vmem>>, vector<16xi32>,
      %get3A_174 = arith.constant 80 : index
      %get3A_175 = tpu.vector_load %arg11[%get3A_174] {strides = array<i32>} : memref<128xi32, #tpu.memory_space<vmem>>, vector<16xi32>,
      %get3A_176 = vector.shape_cast %get3A_175 : vector<16xi32> to vector<16xi32>
      %add3A_177 = vector.broadcast %mul3A_8 : i32 to vector<16xi32>
      %add3A_178 = arith.addi %get3A_176, %add3A_177 : vector<16xi32>
      %swap3A_179 = arith.constant 80 : index
      %swap3A_180 = tpu.vector_load %arg11[%swap3A_179] {strides = array<i32>} : memref<128xi32, #tpu.memory_space<vmem>>, vector<16xi32>,
      %swap3A_181 = vector.shape_cast %swap3A_180 : vector<16xi32> to vector<16xi32>
      %swap3A_182 = vector.shape_cast %add3A_178 : vector<16xi32> to vector<16xi32>
      tpu.vector_store %arg11[%swap3A_179], %swap3A_182 {strides = array<i32>} : memref<128xi32, #tpu.memory_space<vmem>>, vector<16xi32>,
      %get3A_183 = arith.constant 96 : index
      %get3A_184 = tpu.vector_load %arg11[%get3A_183] {strides = array<i32>} : memref<128xi32, #tpu.memory_space<vmem>>, vector<16xi32>,
      %get3A_185 = vector.shape_cast %get3A_184 : vector<16xi32> to vector<16xi32>
      %add3A_186 = vector.broadcast %mul3A_8 : i32 to vector<16xi32>
      %add3A_187 = arith.addi %get3A_185, %add3A_186 : vector<16xi32>
      %swap3A_188 = arith.constant 96 : index
      %swap3A_189 = tpu.vector_load %arg11[%swap3A_188] {strides = array<i32>} : memref<128xi32, #tpu.memory_space<vmem>>, vector<16xi32>,
      %swap3A_190 = vector.shape_cast %swap3A_189 : vector<16xi32> to vector<16xi32>
      %swap3A_191 = vector.shape_cast %add3A_187 : vector<16xi32> to vector<16xi32>
      tpu.vector_store %arg11[%swap3A_188], %swap3A_191 {strides = array<i32>} : memref<128xi32, #tpu.memory_space<vmem>>, vector<16xi32>,
      %get3A_192 = arith.constant 112 : index
      %get3A_193 = tpu.vector_load %arg11[%get3A_192] {strides = array<i32>} : memref<128xi32, #tpu.memory_space<vmem>>, vector<16xi32>,
      %get3A_194 = vector.shape_cast %get3A_193 : vector<16xi32> to vector<16xi32>
      %add3A_195 = vector.broadcast %mul3A_8 : i32 to vector<16xi32>
      %add3A_196 = arith.addi %get3A_194, %add3A_195 : vector<16xi32>
      %swap3A_197 = arith.constant 112 : index
      %swap3A_198 = tpu.vector_load %arg11[%swap3A_197] {strides = array<i32>} : memref<128xi32, #tpu.memory_space<vmem>>, vector<16xi32>,
      %swap3A_199 = vector.shape_cast %swap3A_198 : vector<16xi32> to vector<16xi32>
      %swap3A_200 = vector.shape_cast %add3A_196 : vector<16xi32> to vector<16xi32>
      tpu.vector_store %arg11[%swap3A_197], %swap3A_200 {strides = array<i32>} : memref<128xi32, #tpu.memory_space<vmem>>, vector<16xi32>,
      %dma_start3A_201 = arith.constant 0 : i32
      %dma_start3A_202 = arith.constant 0 : i32
      %dma_start3A_203 = tpu.memref_slice %arg2[%dma_start3A_201, %dma_start3A_202] : memref<20000x64xf32, #tpu.memory_space<hbm>> -> memref<20000x64xf32, #tpu.memory_space<hbm>>
      tpu.enqueue_indirect_dma source(%dma_start3A_203 : memref<20000x64xf32, #tpu.memory_space<hbm>>) target(%arg14 : memref<128x64xf32, #tpu.memory_space<vmem>>) offsets(%arg11 : memref<128xi32, #tpu.memory_space<vmem>>) semaphore(%arg19 : memref<!tpu.dma_semaphore, #tpu.memory_space<semaphore_mem>>)
      %mul3A_204 = arith.constant 64 : i32
      %mul3A_205 = arith.muli %add3A_121, %mul3A_204 : i32
      %add3A_206 = arith.addi %add3A, %mul3A_205 : i32
      %dma_start3A_207 = arith.constant 0 : i32
      %dma_start3A_208 = tpu.memref_slice %arg3[%add3A_206, %dma_start3A_207] : memref<327680x128xf32, #tpu.memory_space<hbm>> -> memref<64x128xf32, #tpu.memory_space<hbm>>
      %dma_start3A_209 = arith.constant 0 : i32
      %dma_start3A_210 = tpu.memref_slice %arg3[%add3A_206, %dma_start3A_209] : memref<327680x128xf32, #tpu.memory_space<hbm>> -> memref<64x128xf32, #tpu.memory_space<hbm>>
      tpu.enqueue_dma source(%dma_start3A_210 : memref<64x128xf32, #tpu.memory_space<hbm>>) target(%arg16 : memref<64x128xf32, #tpu.memory_space<vmem>>) target_semaphore(%arg21 : memref<!tpu.dma_semaphore, #tpu.memory_space<semaphore_mem>>)
      %dma_wait3A_211 = arith.constant 0 : i32
      %dma_wait3A_212 = arith.constant 0 : i32
      %dma_wait3A_213 = tpu.memref_slice %arg2[%dma_wait3A_211, %dma_wait3A_212] : memref<20000x64xf32, #tpu.memory_space<hbm>> -> memref<20000x64xf32, #tpu.memory_space<hbm>>
      tpu.wait_indirect_dma semaphore(%arg18 : memref<!tpu.dma_semaphore, #tpu.memory_space<semaphore_mem>>) src(%dma_wait3A_213 : memref<20000x64xf32, #tpu.memory_space<hbm>>) dst(%arg13 : memref<128x64xf32, #tpu.memory_space<vmem>>)
      %mul3A_214 = arith.constant 64 : i32
      %mul3A_215 = arith.muli %mul3A_119, %mul3A_214 : i32
      %add3A_216 = arith.addi %add3A, %mul3A_215 : i32
      %dma_wait3A_217 = arith.constant 0 : i32
      %dma_wait3A_218 = tpu.memref_slice %arg3[%add3A_216, %dma_wait3A_217] : memref<327680x128xf32, #tpu.memory_space<hbm>> -> memref<64x128xf32, #tpu.memory_space<hbm>>
      %dma_wait3A_219 = arith.constant 0 : i32
      %dma_wait3A_220 = tpu.memref_slice %arg3[%add3A_216, %dma_wait3A_219] : memref<327680x128xf32, #tpu.memory_space<hbm>> -> memref<64x128xf32, #tpu.memory_space<hbm>>
      tpu.wait_dma2 semaphore(%arg20 : memref<!tpu.dma_semaphore, #tpu.memory_space<semaphore_mem>>) src(%dma_wait3A_220 : memref<64x128xf32, #tpu.memory_space<hbm>>) dst(%arg15 : memref<64x128xf32, #tpu.memory_space<vmem>>)
      %scan3A_221 = arith.constant 0 : i32
      %scan3A_222 = arith.constant 0 : i32
      %scan3A_223 = arith.constant 64 : i32
      %scan3A_224 = arith.addi %scan3A_222, %scan3A_223 : i32
      %scan3A_225 = arith.constant 1 : i32
      scf.for %scan3A_250 = %scan3A_222 to %scan3A_224 step %scan3A_225  : i32 {
        %mul3A_251 = arith.constant 2 : i32
        %mul3A_252 = arith.muli %mul3A_251, %scan3A_250 : i32
        %add3A_253 = arith.constant 0 : i32
        %add3A_254 = arith.addi %mul3A_252, %add3A_253 : i32
        %mul3A_255 = arith.constant 2 : i32
        %mul3A_256 = arith.muli %mul3A_255, %scan3A_250 : i32
        %add3A_257 = arith.constant 0 : i32
        %add3A_258 = arith.addi %mul3A_256, %add3A_257 : i32
        %mul3A_259 = arith.constant 2 : i32
        %mul3A_260 = arith.muli %mul3A_259, %scan3A_250 : i32
        %add3A_261 = arith.constant 0 : i32
        %add3A_262 = arith.addi %mul3A_260, %add3A_261 : i32
        %mul3A_263 = arith.constant 2 : i32
        %mul3A_264 = arith.muli %mul3A_263, %scan3A_250 : i32
        %add3A_265 = arith.constant 0 : i32
        %add3A_266 = arith.addi %mul3A_264, %add3A_265 : i32
        %mul3A_267 = arith.constant 2 : i32
        %mul3A_268 = arith.muli %mul3A_267, %scan3A_250 : i32
        %add3A_269 = arith.constant 1 : i32
        %add3A_270 = arith.addi %mul3A_268, %add3A_269 : i32
        %mul3A_271 = arith.constant 2 : i32
        %mul3A_272 = arith.muli %mul3A_271, %scan3A_250 : i32
        %add3A_273 = arith.constant 1 : i32
        %add3A_274 = arith.addi %mul3A_272, %add3A_273 : i32
        %mul3A_275 = arith.constant 2 : i32
        %mul3A_276 = arith.muli %mul3A_275, %scan3A_250 : i32
        %add3A_277 = arith.constant 1 : i32
        %add3A_278 = arith.addi %mul3A_276, %add3A_277 : i32
        %mul3A_279 = arith.constant 2 : i32
        %mul3A_280 = arith.muli %mul3A_279, %scan3A_250 : i32
        %add3A_281 = arith.constant 1 : i32
        %add3A_282 = arith.addi %mul3A_280, %add3A_281 : i32
        %get3A_283 = arith.index_cast %add3A_254 : i32 to index
        %get3A_284 = arith.constant 0 : index
        %get3A_285 = tpu.vector_load %arg13[%get3A_283, %get3A_284] {strides = array<i32>} : memref<128x64xf32, #tpu.memory_space<vmem>>, vector<1x16xf32>,
        %get3A_286 = vector.shape_cast %get3A_285 : vector<1x16xf32> to vector<16xf32>
        %get3A_287 = arith.index_cast %add3A_258 : i32 to index
        %get3A_288 = arith.constant 16 : index
        %get3A_289 = tpu.vector_load %arg13[%get3A_287, %get3A_288] {strides = array<i32>} : memref<128x64xf32, #tpu.memory_space<vmem>>, vector<1x16xf32>,
        %get3A_290 = vector.shape_cast %get3A_289 : vector<1x16xf32> to vector<16xf32>
        %get3A_291 = arith.index_cast %add3A_262 : i32 to index
        %get3A_292 = arith.constant 32 : index
        %get3A_293 = tpu.vector_load %arg13[%get3A_291, %get3A_292] {strides = array<i32>} : memref<128x64xf32, #tpu.memory_space<vmem>>, vector<1x16xf32>,
        %get3A_294 = vector.shape_cast %get3A_293 : vector<1x16xf32> to vector<16xf32>
        %get3A_295 = arith.index_cast %add3A_266 : i32 to index
        %get3A_296 = arith.constant 48 : index
        %get3A_297 = tpu.vector_load %arg13[%get3A_295, %get3A_296] {strides = array<i32>} : memref<128x64xf32, #tpu.memory_space<vmem>>, vector<1x16xf32>,
        %get3A_298 = vector.shape_cast %get3A_297 : vector<1x16xf32> to vector<16xf32>
        %get3A_299 = arith.index_cast %add3A_270 : i32 to index
        %get3A_300 = arith.constant 0 : index
        %get3A_301 = tpu.vector_load %arg13[%get3A_299, %get3A_300] {strides = array<i32>} : memref<128x64xf32, #tpu.memory_space<vmem>>, vector<1x16xf32>,
        %get3A_302 = vector.shape_cast %get3A_301 : vector<1x16xf32> to vector<16xf32>
        %get3A_303 = arith.index_cast %add3A_274 : i32 to index
        %get3A_304 = arith.constant 16 : index
        %get3A_305 = tpu.vector_load %arg13[%get3A_303, %get3A_304] {strides = array<i32>} : memref<128x64xf32, #tpu.memory_space<vmem>>, vector<1x16xf32>,
        %get3A_306 = vector.shape_cast %get3A_305 : vector<1x16xf32> to vector<16xf32>
        %get3A_307 = arith.index_cast %add3A_278 : i32 to index
        %get3A_308 = arith.constant 32 : index
        %get3A_309 = tpu.vector_load %arg13[%get3A_307, %get3A_308] {strides = array<i32>} : memref<128x64xf32, #tpu.memory_space<vmem>>, vector<1x16xf32>,
        %get3A_310 = vector.shape_cast %get3A_309 : vector<1x16xf32> to vector<16xf32>
        %get3A_311 = arith.index_cast %add3A_282 : i32 to index
        %get3A_312 = arith.constant 48 : index
        %get3A_313 = tpu.vector_load %arg13[%get3A_311, %get3A_312] {strides = array<i32>} : memref<128x64xf32, #tpu.memory_space<vmem>>, vector<1x16xf32>,
        %get3A_314 = vector.shape_cast %get3A_313 : vector<1x16xf32> to vector<16xf32>
        %get3A_315 = arith.index_cast %scan3A_250 : i32 to index
        %get3A_316 = arith.constant 0 : index
        %get3A_317 = tpu.vector_load %arg15[%get3A_315, %get3A_316] {strides = array<i32>} : memref<64x128xf32, #tpu.memory_space<vmem>>, vector<1x16xf32>,
        %get3A_318 = vector.shape_cast %get3A_317 : vector<1x16xf32> to vector<16xf32>
        %get3A_319 = arith.index_cast %scan3A_250 : i32 to index
        %get3A_320 = arith.constant 16 : index
        %get3A_321 = tpu.vector_load %arg15[%get3A_319, %get3A_320] {strides = array<i32>} : memref<64x128xf32, #tpu.memory_space<vmem>>, vector<1x16xf32>,
        %get3A_322 = vector.shape_cast %get3A_321 : vector<1x16xf32> to vector<16xf32>
        %get3A_323 = arith.index_cast %scan3A_250 : i32 to index
        %get3A_324 = arith.constant 32 : index
        %get3A_325 = tpu.vector_load %arg15[%get3A_323, %get3A_324] {strides = array<i32>} : memref<64x128xf32, #tpu.memory_space<vmem>>, vector<1x16xf32>,
        %get3A_326 = vector.shape_cast %get3A_325 : vector<1x16xf32> to vector<16xf32>
        %get3A_327 = arith.index_cast %scan3A_250 : i32 to index
        %get3A_328 = arith.constant 48 : index
        %get3A_329 = tpu.vector_load %arg15[%get3A_327, %get3A_328] {strides = array<i32>} : memref<64x128xf32, #tpu.memory_space<vmem>>, vector<1x16xf32>,
        %get3A_330 = vector.shape_cast %get3A_329 : vector<1x16xf32> to vector<16xf32>
        %get3A_331 = arith.index_cast %scan3A_250 : i32 to index
        %get3A_332 = arith.constant 64 : index
        %get3A_333 = tpu.vector_load %arg15[%get3A_331, %get3A_332] {strides = array<i32>} : memref<64x128xf32, #tpu.memory_space<vmem>>, vector<1x16xf32>,
        %get3A_334 = vector.shape_cast %get3A_333 : vector<1x16xf32> to vector<16xf32>
        %get3A_335 = arith.index_cast %scan3A_250 : i32 to index
        %get3A_336 = arith.constant 80 : index
        %get3A_337 = tpu.vector_load %arg15[%get3A_335, %get3A_336] {strides = array<i32>} : memref<64x128xf32, #tpu.memory_space<vmem>>, vector<1x16xf32>,
        %get3A_338 = vector.shape_cast %get3A_337 : vector<1x16xf32> to vector<16xf32>
        %get3A_339 = arith.index_cast %scan3A_250 : i32 to index
        %get3A_340 = arith.constant 96 : index
        %get3A_341 = tpu.vector_load %arg15[%get3A_339, %get3A_340] {strides = array<i32>} : memref<64x128xf32, #tpu.memory_space<vmem>>, vector<1x16xf32>,
        %get3A_342 = vector.shape_cast %get3A_341 : vector<1x16xf32> to vector<16xf32>
        %get3A_343 = arith.index_cast %scan3A_250 : i32 to index
        %get3A_344 = arith.constant 112 : index
        %get3A_345 = tpu.vector_load %arg15[%get3A_343, %get3A_344] {strides = array<i32>} : memref<64x128xf32, #tpu.memory_space<vmem>>, vector<1x16xf32>,
        %get3A_346 = vector.shape_cast %get3A_345 : vector<1x16xf32> to vector<16xf32>
        %add3A_347 = arith.addf %get3A_286, %get3A_318 : vector<16xf32>
        %add3A_348 = arith.addf %get3A_290, %get3A_322 : vector<16xf32>
        %add3A_349 = arith.addf %get3A_294, %get3A_326 : vector<16xf32>
        %add3A_350 = arith.addf %get3A_298, %get3A_330 : vector<16xf32>
        %add3A_351 = arith.addf %get3A_302, %get3A_334 : vector<16xf32>
        %add3A_352 = arith.addf %get3A_306, %get3A_338 : vector<16xf32>
        %add3A_353 = arith.addf %get3A_310, %get3A_342 : vector<16xf32>
        %add3A_354 = arith.addf %get3A_314, %get3A_346 : vector<16xf32>
        %max3A = arith.constant 0.000000e+00 : f32
        %max3A_355 = vector.broadcast %max3A : f32 to vector<16xf32>
        %max3A_356 = arith.maximumf %add3A_347, %max3A_355 : vector<16xf32>
        %max3A_357 = arith.constant 0.000000e+00 : f32
        %max3A_358 = vector.broadcast %max3A_357 : f32 to vector<16xf32>
        %max3A_359 = arith.maximumf %add3A_348, %max3A_358 : vector<16xf32>
        %max3A_360 = arith.constant 0.000000e+00 : f32
        %max3A_361 = vector.broadcast %max3A_360 : f32 to vector<16xf32>
        %max3A_362 = arith.maximumf %add3A_349, %max3A_361 : vector<16xf32>
        %max3A_363 = arith.constant 0.000000e+00 : f32
        %max3A_364 = vector.broadcast %max3A_363 : f32 to vector<16xf32>
        %max3A_365 = arith.maximumf %add3A_350, %max3A_364 : vector<16xf32>
        %max3A_366 = arith.constant 0.000000e+00 : f32
        %max3A_367 = vector.broadcast %max3A_366 : f32 to vector<16xf32>
        %max3A_368 = arith.maximumf %add3A_351, %max3A_367 : vector<16xf32>
        %max3A_369 = arith.constant 0.000000e+00 : f32
        %max3A_370 = vector.broadcast %max3A_369 : f32 to vector<16xf32>
        %max3A_371 = arith.maximumf %add3A_352, %max3A_370 : vector<16xf32>
        %max3A_372 = arith.constant 0.000000e+00 : f32
        %max3A_373 = vector.broadcast %max3A_372 : f32 to vector<16xf32>
        %max3A_374 = arith.maximumf %add3A_353, %max3A_373 : vector<16xf32>
        %max3A_375 = arith.constant 0.000000e+00 : f32
        %max3A_376 = vector.broadcast %max3A_375 : f32 to vector<16xf32>
        %max3A_377 = arith.maximumf %add3A_354, %max3A_376 : vector<16xf32>
        %add3A_378 = arith.constant 1.000000e-07 : f32
        %add3A_379 = vector.broadcast %add3A_378 : f32 to vector<16xf32>
        %add3A_380 = arith.addf %max3A_356, %add3A_379 : vector<16xf32>
        %add3A_381 = arith.constant 1.000000e-07 : f32
        %add3A_382 = vector.broadcast %add3A_381 : f32 to vector<16xf32>
        %add3A_383 = arith.addf %max3A_359, %add3A_382 : vector<16xf32>
        %add3A_384 = arith.constant 1.000000e-07 : f32
        %add3A_385 = vector.broadcast %add3A_384 : f32 to vector<16xf32>
        %add3A_386 = arith.addf %max3A_362, %add3A_385 : vector<16xf32>
        %add3A_387 = arith.constant 1.000000e-07 : f32
        %add3A_388 = vector.broadcast %add3A_387 : f32 to vector<16xf32>
        %add3A_389 = arith.addf %max3A_365, %add3A_388 : vector<16xf32>
        %add3A_390 = arith.constant 1.000000e-07 : f32
        %add3A_391 = vector.broadcast %add3A_390 : f32 to vector<16xf32>
        %add3A_392 = arith.addf %max3A_368, %add3A_391 : vector<16xf32>
        %add3A_393 = arith.constant 1.000000e-07 : f32
        %add3A_394 = vector.broadcast %add3A_393 : f32 to vector<16xf32>
        %add3A_395 = arith.addf %max3A_371, %add3A_394 : vector<16xf32>
        %add3A_396 = arith.constant 1.000000e-07 : f32
        %add3A_397 = vector.broadcast %add3A_396 : f32 to vector<16xf32>
        %add3A_398 = arith.addf %max3A_374, %add3A_397 : vector<16xf32>
        %add3A_399 = arith.constant 1.000000e-07 : f32
        %add3A_400 = vector.broadcast %add3A_399 : f32 to vector<16xf32>
        %add3A_401 = arith.addf %max3A_377, %add3A_400 : vector<16xf32>
        %exp3A = math.exp %add3A_380 : vector<16xf32>
        %exp3A_402 = math.exp %add3A_383 : vector<16xf32>
        %exp3A_403 = math.exp %add3A_386 : vector<16xf32>
        %exp3A_404 = math.exp %add3A_389 : vector<16xf32>
        %exp3A_405 = math.exp %add3A_392 : vector<16xf32>
        %exp3A_406 = math.exp %add3A_395 : vector<16xf32>
        %exp3A_407 = math.exp %add3A_398 : vector<16xf32>
        %exp3A_408 = math.exp %add3A_401 : vector<16xf32>
        %mul3A_409 = arith.mulf %add3A_380, %exp3A : vector<16xf32>
        %mul3A_410 = arith.mulf %add3A_383, %exp3A_402 : vector<16xf32>
        %mul3A_411 = arith.mulf %add3A_386, %exp3A_403 : vector<16xf32>
        %mul3A_412 = arith.mulf %add3A_389, %exp3A_404 : vector<16xf32>
        %mul3A_413 = arith.mulf %add3A_392, %exp3A_405 : vector<16xf32>
        %mul3A_414 = arith.mulf %add3A_395, %exp3A_406 : vector<16xf32>
        %mul3A_415 = arith.mulf %add3A_398, %exp3A_407 : vector<16xf32>
        %mul3A_416 = arith.mulf %add3A_401, %exp3A_408 : vector<16xf32>
        %swap3A_417 = arith.index_cast %add3A_254 : i32 to index
        %swap3A_418 = arith.constant 0 : index
        %swap3A_419 = tpu.vector_load %arg17[%swap3A_417, %swap3A_418] {strides = array<i32>} : memref<128x128xf32, #tpu.memory_space<vmem>>, vector<1x16xf32>,
        %swap3A_420 = vector.shape_cast %swap3A_419 : vector<1x16xf32> to vector<16xf32>
        %swap3A_421 = vector.shape_cast %mul3A_409 : vector<16xf32> to vector<1x16xf32>
        tpu.vector_store %arg17[%swap3A_417, %swap3A_418], %swap3A_421 {strides = array<i32>} : memref<128x128xf32, #tpu.memory_space<vmem>>, vector<1x16xf32>,
        %swap3A_422 = arith.index_cast %add3A_258 : i32 to index
        %swap3A_423 = arith.constant 16 : index
        %swap3A_424 = tpu.vector_load %arg17[%swap3A_422, %swap3A_423] {strides = array<i32>} : memref<128x128xf32, #tpu.memory_space<vmem>>, vector<1x16xf32>,
        %swap3A_425 = vector.shape_cast %swap3A_424 : vector<1x16xf32> to vector<16xf32>
        %swap3A_426 = vector.shape_cast %mul3A_410 : vector<16xf32> to vector<1x16xf32>
        tpu.vector_store %arg17[%swap3A_422, %swap3A_423], %swap3A_426 {strides = array<i32>} : memref<128x128xf32, #tpu.memory_space<vmem>>, vector<1x16xf32>,
        %swap3A_427 = arith.index_cast %add3A_262 : i32 to index
        %swap3A_428 = arith.constant 32 : index
        %swap3A_429 = tpu.vector_load %arg17[%swap3A_427, %swap3A_428] {strides = array<i32>} : memref<128x128xf32, #tpu.memory_space<vmem>>, vector<1x16xf32>,
        %swap3A_430 = vector.shape_cast %swap3A_429 : vector<1x16xf32> to vector<16xf32>
        %swap3A_431 = vector.shape_cast %mul3A_411 : vector<16xf32> to vector<1x16xf32>
        tpu.vector_store %arg17[%swap3A_427, %swap3A_428], %swap3A_431 {strides = array<i32>} : memref<128x128xf32, #tpu.memory_space<vmem>>, vector<1x16xf32>,
        %swap3A_432 = arith.index_cast %add3A_266 : i32 to index
        %swap3A_433 = arith.constant 48 : index
        %swap3A_434 = tpu.vector_load %arg17[%swap3A_432, %swap3A_433] {strides = array<i32>} : memref<128x128xf32, #tpu.memory_space<vmem>>, vector<1x16xf32>,
        %swap3A_435 = vector.shape_cast %swap3A_434 : vector<1x16xf32> to vector<16xf32>
        %swap3A_436 = vector.shape_cast %mul3A_412 : vector<16xf32> to vector<1x16xf32>
        tpu.vector_store %arg17[%swap3A_432, %swap3A_433], %swap3A_436 {strides = array<i32>} : memref<128x128xf32, #tpu.memory_space<vmem>>, vector<1x16xf32>,
        %swap3A_437 = arith.index_cast %add3A_270 : i32 to index
        %swap3A_438 = arith.constant 0 : index
        %swap3A_439 = tpu.vector_load %arg17[%swap3A_437, %swap3A_438] {strides = array<i32>} : memref<128x128xf32, #tpu.memory_space<vmem>>, vector<1x16xf32>,
        %swap3A_440 = vector.shape_cast %swap3A_439 : vector<1x16xf32> to vector<16xf32>
        %swap3A_441 = vector.shape_cast %mul3A_413 : vector<16xf32> to vector<1x16xf32>
        tpu.vector_store %arg17[%swap3A_437, %swap3A_438], %swap3A_441 {strides = array<i32>} : memref<128x128xf32, #tpu.memory_space<vmem>>, vector<1x16xf32>,
        %swap3A_442 = arith.index_cast %add3A_274 : i32 to index
        %swap3A_443 = arith.constant 16 : index
        %swap3A_444 = tpu.vector_load %arg17[%swap3A_442, %swap3A_443] {strides = array<i32>} : memref<128x128xf32, #tpu.memory_space<vmem>>, vector<1x16xf32>,
        %swap3A_445 = vector.shape_cast %swap3A_444 : vector<1x16xf32> to vector<16xf32>
        %swap3A_446 = vector.shape_cast %mul3A_414 : vector<16xf32> to vector<1x16xf32>
        tpu.vector_store %arg17[%swap3A_442, %swap3A_443], %swap3A_446 {strides = array<i32>} : memref<128x128xf32, #tpu.memory_space<vmem>>, vector<1x16xf32>,
        %swap3A_447 = arith.index_cast %add3A_278 : i32 to index
        %swap3A_448 = arith.constant 32 : index
        %swap3A_449 = tpu.vector_load %arg17[%swap3A_447, %swap3A_448] {strides = array<i32>} : memref<128x128xf32, #tpu.memory_space<vmem>>, vector<1x16xf32>,
        %swap3A_450 = vector.shape_cast %swap3A_449 : vector<1x16xf32> to vector<16xf32>
        %swap3A_451 = vector.shape_cast %mul3A_415 : vector<16xf32> to vector<1x16xf32>
        tpu.vector_store %arg17[%swap3A_447, %swap3A_448], %swap3A_451 {strides = array<i32>} : memref<128x128xf32, #tpu.memory_space<vmem>>, vector<1x16xf32>,
        %swap3A_452 = arith.index_cast %add3A_282 : i32 to index
        %swap3A_453 = arith.constant 48 : index
        %swap3A_454 = tpu.vector_load %arg17[%swap3A_452, %swap3A_453] {strides = array<i32>} : memref<128x128xf32, #tpu.memory_space<vmem>>, vector<1x16xf32>,
        %swap3A_455 = vector.shape_cast %swap3A_454 : vector<1x16xf32> to vector<16xf32>
        %swap3A_456 = vector.shape_cast %mul3A_416 : vector<16xf32> to vector<1x16xf32>
        tpu.vector_store %arg17[%swap3A_452, %swap3A_453], %swap3A_456 {strides = array<i32>} : memref<128x128xf32, #tpu.memory_space<vmem>>, vector<1x16xf32>,
        %swap3A_457 = arith.index_cast %add3A_254 : i32 to index
        %swap3A_458 = arith.constant 64 : index
        %swap3A_459 = tpu.vector_load %arg17[%swap3A_457, %swap3A_458] {strides = array<i32>} : memref<128x128xf32, #tpu.memory_space<vmem>>, vector<1x16xf32>,
        %swap3A_460 = vector.shape_cast %swap3A_459 : vector<1x16xf32> to vector<16xf32>
        %swap3A_461 = vector.shape_cast %exp3A : vector<16xf32> to vector<1x16xf32>
        tpu.vector_store %arg17[%swap3A_457, %swap3A_458], %swap3A_461 {strides = array<i32>} : memref<128x128xf32, #tpu.memory_space<vmem>>, vector<1x16xf32>,
        %swap3A_462 = arith.index_cast %add3A_258 : i32 to index
        %swap3A_463 = arith.constant 80 : index
        %swap3A_464 = tpu.vector_load %arg17[%swap3A_462, %swap3A_463] {strides = array<i32>} : memref<128x128xf32, #tpu.memory_space<vmem>>, vector<1x16xf32>,
        %swap3A_465 = vector.shape_cast %swap3A_464 : vector<1x16xf32> to vector<16xf32>
        %swap3A_466 = vector.shape_cast %exp3A_402 : vector<16xf32> to vector<1x16xf32>
        tpu.vector_store %arg17[%swap3A_462, %swap3A_463], %swap3A_466 {strides = array<i32>} : memref<128x128xf32, #tpu.memory_space<vmem>>, vector<1x16xf32>,
        %swap3A_467 = arith.index_cast %add3A_262 : i32 to index
        %swap3A_468 = arith.constant 96 : index
        %swap3A_469 = tpu.vector_load %arg17[%swap3A_467, %swap3A_468] {strides = array<i32>} : memref<128x128xf32, #tpu.memory_space<vmem>>, vector<1x16xf32>,
        %swap3A_470 = vector.shape_cast %swap3A_469 : vector<1x16xf32> to vector<16xf32>
        %swap3A_471 = vector.shape_cast %exp3A_403 : vector<16xf32> to vector<1x16xf32>
        tpu.vector_store %arg17[%swap3A_467, %swap3A_468], %swap3A_471 {strides = array<i32>} : memref<128x128xf32, #tpu.memory_space<vmem>>, vector<1x16xf32>,
        %swap3A_472 = arith.index_cast %add3A_266 : i32 to index
        %swap3A_473 = arith.constant 112 : index
        %swap3A_474 = tpu.vector_load %arg17[%swap3A_472, %swap3A_473] {strides = array<i32>} : memref<128x128xf32, #tpu.memory_space<vmem>>, vector<1x16xf32>,
        %swap3A_475 = vector.shape_cast %swap3A_474 : vector<1x16xf32> to vector<16xf32>
        %swap3A_476 = vector.shape_cast %exp3A_404 : vector<16xf32> to vector<1x16xf32>
        tpu.vector_store %arg17[%swap3A_472, %swap3A_473], %swap3A_476 {strides = array<i32>} : memref<128x128xf32, #tpu.memory_space<vmem>>, vector<1x16xf32>,
        %swap3A_477 = arith.index_cast %add3A_270 : i32 to index
        %swap3A_478 = arith.constant 64 : index
        %swap3A_479 = tpu.vector_load %arg17[%swap3A_477, %swap3A_478] {strides = array<i32>} : memref<128x128xf32, #tpu.memory_space<vmem>>, vector<1x16xf32>,
        %swap3A_480 = vector.shape_cast %swap3A_479 : vector<1x16xf32> to vector<16xf32>
        %swap3A_481 = vector.shape_cast %exp3A_405 : vector<16xf32> to vector<1x16xf32>
        tpu.vector_store %arg17[%swap3A_477, %swap3A_478], %swap3A_481 {strides = array<i32>} : memref<128x128xf32, #tpu.memory_space<vmem>>, vector<1x16xf32>,
        %swap3A_482 = arith.index_cast %add3A_274 : i32 to index
        %swap3A_483 = arith.constant 80 : index
        %swap3A_484 = tpu.vector_load %arg17[%swap3A_482, %swap3A_483] {strides = array<i32>} : memref<128x128xf32, #tpu.memory_space<vmem>>, vector<1x16xf32>,
        %swap3A_485 = vector.shape_cast %swap3A_484 : vector<1x16xf32> to vector<16xf32>
        %swap3A_486 = vector.shape_cast %exp3A_406 : vector<16xf32> to vector<1x16xf32>
        tpu.vector_store %arg17[%swap3A_482, %swap3A_483], %swap3A_486 {strides = array<i32>} : memref<128x128xf32, #tpu.memory_space<vmem>>, vector<1x16xf32>,
        %swap3A_487 = arith.index_cast %add3A_278 : i32 to index
        %swap3A_488 = arith.constant 96 : index
        %swap3A_489 = tpu.vector_load %arg17[%swap3A_487, %swap3A_488] {strides = array<i32>} : memref<128x128xf32, #tpu.memory_space<vmem>>, vector<1x16xf32>,
        %swap3A_490 = vector.shape_cast %swap3A_489 : vector<1x16xf32> to vector<16xf32>
        %swap3A_491 = vector.shape_cast %exp3A_407 : vector<16xf32> to vector<1x16xf32>
        tpu.vector_store %arg17[%swap3A_487, %swap3A_488], %swap3A_491 {strides = array<i32>} : memref<128x128xf32, #tpu.memory_space<vmem>>, vector<1x16xf32>,
        %swap3A_492 = arith.index_cast %add3A_282 : i32 to index
        %swap3A_493 = arith.constant 112 : index
        %swap3A_494 = tpu.vector_load %arg17[%swap3A_492, %swap3A_493] {strides = array<i32>} : memref<128x128xf32, #tpu.memory_space<vmem>>, vector<1x16xf32>,
        %swap3A_495 = vector.shape_cast %swap3A_494 : vector<1x16xf32> to vector<16xf32>
        %swap3A_496 = vector.shape_cast %exp3A_408 : vector<16xf32> to vector<1x16xf32>
        tpu.vector_store %arg17[%swap3A_492, %swap3A_493], %swap3A_496 {strides = array<i32>} : memref<128x128xf32, #tpu.memory_space<vmem>>, vector<1x16xf32>,
      }
      %scan3A_226 = arith.constant 64 : i32
      "tpu.region"() ({
        %run_scoped3A = tpu.sem_alloc : memref<!tpu.dma_semaphore, #tpu.memory_space<semaphore_mem>>
        %dma_start3A_250 = arith.constant 0 : i32
        %dma_start3A_251 = arith.constant 0 : i32
        %dma_start3A_252 = tpu.memref_slice %arg8[%dma_start3A_250, %dma_start3A_251] : memref<10112x128xf32, #tpu.memory_space<vmem_shared>> -> memref<10112x128xf32, #tpu.memory_space<vmem_shared>>
        tpu.enqueue_indirect_dma source(%arg17 : memref<128x128xf32, #tpu.memory_space<vmem>>) target(%dma_start3A_252 : memref<10112x128xf32, #tpu.memory_space<vmem_shared>>) offsets(%arg10 : memref<128xi32, #tpu.memory_space<vmem>>) semaphore(%run_scoped3A : memref<!tpu.dma_semaphore, #tpu.memory_space<semaphore_mem>>) {add = true}
        %dma_wait3A_253 = arith.constant 0 : i32
        %dma_wait3A_254 = arith.constant 0 : i32
        %dma_wait3A_255 = tpu.memref_slice %arg8[%dma_wait3A_253, %dma_wait3A_254] : memref<10112x128xf32, #tpu.memory_space<vmem_shared>> -> memref<10112x128xf32, #tpu.memory_space<vmem_shared>>
        tpu.wait_indirect_dma semaphore(%run_scoped3A : memref<!tpu.dma_semaphore, #tpu.memory_space<semaphore_mem>>) src(%arg17 : memref<128x128xf32, #tpu.memory_space<vmem>>) dst(%dma_wait3A_255 : memref<10112x128xf32, #tpu.memory_space<vmem_shared>>)
        tpu.yield
      }) : () -> ()
      %lt3A = arith.constant 79 : i32
      %lt3A_227 = arith.cmpi slt, %scan3A_117, %lt3A : i32
      %convert_element_type3A = arith.extui %lt3A_227 : i1 to i32
      %cond3A = arith.constant 0 : i32
      %cond3A_228 = arith.cmpi ne, %convert_element_type3A, %cond3A : i32
      scf.if %cond3A_228 {
        %add3A_250 = arith.constant 2 : i32
        %add3A_251 = arith.addi %mul3A_119, %add3A_250 : i32
        %mul3A_252 = arith.constant 128 : i32
        %mul3A_253 = arith.muli %add3A_251, %mul3A_252 : i32
        %add3A_254 = arith.addi %mul3A_2, %mul3A_253 : i32
        %dma_start3A_255 = tpu.memref_slice %arg4[%add3A_254] : memref<327680xi32, #tpu.memory_space<hbm>> -> memref<128xi32, #tpu.memory_space<hbm>>
        %dma_start3A_256 = tpu.memref_slice %arg4[%add3A_254] : memref<327680xi32, #tpu.memory_space<hbm>> -> memref<128xi32, #tpu.memory_space<hbm>>
        tpu.enqueue_dma source(%dma_start3A_256 : memref<128xi32, #tpu.memory_space<hbm>>) target(%arg9 : memref<128xi32, #tpu.memory_space<vmem>>) target_semaphore(%arg22 : memref<!tpu.dma_semaphore, #tpu.memory_space<semaphore_mem>>)
        %dma_start3A_257 = tpu.memref_slice %arg5[%add3A_254] : memref<327680xi32, #tpu.memory_space<hbm>> -> memref<128xi32, #tpu.memory_space<hbm>>
        %dma_start3A_258 = tpu.memref_slice %arg5[%add3A_254] : memref<327680xi32, #tpu.memory_space<hbm>> -> memref<128xi32, #tpu.memory_space<hbm>>
        tpu.enqueue_dma source(%dma_start3A_258 : memref<128xi32, #tpu.memory_space<hbm>>) target(%arg10 : memref<128xi32, #tpu.memory_space<vmem>>) target_semaphore(%arg22 : memref<!tpu.dma_semaphore, #tpu.memory_space<semaphore_mem>>)
      } else {
      }
      %dma_wait3A_229 = arith.constant 0 : i32
      %dma_wait3A_230 = arith.constant 0 : i32
      %dma_wait3A_231 = tpu.memref_slice %arg2[%dma_wait3A_229, %dma_wait3A_230] : memref<20000x64xf32, #tpu.memory_space<hbm>> -> memref<20000x64xf32, #tpu.memory_space<hbm>>
      tpu.wait_indirect_dma semaphore(%arg19 : memref<!tpu.dma_semaphore, #tpu.memory_space<semaphore_mem>>) src(%dma_wait3A_231 : memref<20000x64xf32, #tpu.memory_space<hbm>>) dst(%arg14 : memref<128x64xf32, #tpu.memory_space<vmem>>)
      %mul3A_232 = arith.constant 64 : i32
      %mul3A_233 = arith.muli %add3A_121, %mul3A_232 : i32
      %add3A_234 = arith.addi %add3A, %mul3A_233 : i32
      %dma_wait3A_235 = arith.constant 0 : i32
      %dma_wait3A_236 = tpu.memref_slice %arg3[%add3A_234, %dma_wait3A_235] : memref<327680x128xf32, #tpu.memory_space<hbm>> -> memref<64x128xf32, #tpu.memory_space<hbm>>
      %dma_wait3A_237 = arith.constant 0 : i32
      %dma_wait3A_238 = tpu.memref_slice %arg3[%add3A_234, %dma_wait3A_237] : memref<327680x128xf32, #tpu.memory_space<hbm>> -> memref<64x128xf32, #tpu.memory_space<hbm>>
      tpu.wait_dma2 semaphore(%arg21 : memref<!tpu.dma_semaphore, #tpu.memory_space<semaphore_mem>>) src(%dma_wait3A_238 : memref<64x128xf32, #tpu.memory_space<hbm>>) dst(%arg16 : memref<64x128xf32, #tpu.memory_space<vmem>>)
      %scan3A_239 = arith.constant 0 : i32
      %scan3A_240 = arith.constant 0 : i32
      %scan3A_241 = arith.constant 64 : i32
      %scan3A_242 = arith.addi %scan3A_240, %scan3A_241 : i32
      %scan3A_243 = arith.constant 1 : i32
      scf.for %scan3A_250 = %scan3A_240 to %scan3A_242 step %scan3A_243  : i32 {
        %mul3A_251 = arith.constant 2 : i32
        %mul3A_252 = arith.muli %mul3A_251, %scan3A_250 : i32
        %add3A_253 = arith.constant 0 : i32
        %add3A_254 = arith.addi %mul3A_252, %add3A_253 : i32
        %mul3A_255 = arith.constant 2 : i32
        %mul3A_256 = arith.muli %mul3A_255, %scan3A_250 : i32
        %add3A_257 = arith.constant 0 : i32
        %add3A_258 = arith.addi %mul3A_256, %add3A_257 : i32
        %mul3A_259 = arith.constant 2 : i32
        %mul3A_260 = arith.muli %mul3A_259, %scan3A_250 : i32
        %add3A_261 = arith.constant 0 : i32
        %add3A_262 = arith.addi %mul3A_260, %add3A_261 : i32
        %mul3A_263 = arith.constant 2 : i32
        %mul3A_264 = arith.muli %mul3A_263, %scan3A_250 : i32
        %add3A_265 = arith.constant 0 : i32
        %add3A_266 = arith.addi %mul3A_264, %add3A_265 : i32
        %mul3A_267 = arith.constant 2 : i32
        %mul3A_268 = arith.muli %mul3A_267, %scan3A_250 : i32
        %add3A_269 = arith.constant 1 : i32
        %add3A_270 = arith.addi %mul3A_268, %add3A_269 : i32
        %mul3A_271 = arith.constant 2 : i32
        %mul3A_272 = arith.muli %mul3A_271, %scan3A_250 : i32
        %add3A_273 = arith.constant 1 : i32
        %add3A_274 = arith.addi %mul3A_272, %add3A_273 : i32
        %mul3A_275 = arith.constant 2 : i32
        %mul3A_276 = arith.muli %mul3A_275, %scan3A_250 : i32
        %add3A_277 = arith.constant 1 : i32
        %add3A_278 = arith.addi %mul3A_276, %add3A_277 : i32
        %mul3A_279 = arith.constant 2 : i32
        %mul3A_280 = arith.muli %mul3A_279, %scan3A_250 : i32
        %add3A_281 = arith.constant 1 : i32
        %add3A_282 = arith.addi %mul3A_280, %add3A_281 : i32
        %get3A_283 = arith.index_cast %add3A_254 : i32 to index
        %get3A_284 = arith.constant 0 : index
        %get3A_285 = tpu.vector_load %arg14[%get3A_283, %get3A_284] {strides = array<i32>} : memref<128x64xf32, #tpu.memory_space<vmem>>, vector<1x16xf32>,
        %get3A_286 = vector.shape_cast %get3A_285 : vector<1x16xf32> to vector<16xf32>
        %get3A_287 = arith.index_cast %add3A_258 : i32 to index
        %get3A_288 = arith.constant 16 : index
        %get3A_289 = tpu.vector_load %arg14[%get3A_287, %get3A_288] {strides = array<i32>} : memref<128x64xf32, #tpu.memory_space<vmem>>, vector<1x16xf32>,
        %get3A_290 = vector.shape_cast %get3A_289 : vector<1x16xf32> to vector<16xf32>
        %get3A_291 = arith.index_cast %add3A_262 : i32 to index
        %get3A_292 = arith.constant 32 : index
        %get3A_293 = tpu.vector_load %arg14[%get3A_291, %get3A_292] {strides = array<i32>} : memref<128x64xf32, #tpu.memory_space<vmem>>, vector<1x16xf32>,
        %get3A_294 = vector.shape_cast %get3A_293 : vector<1x16xf32> to vector<16xf32>
        %get3A_295 = arith.index_cast %add3A_266 : i32 to index
        %get3A_296 = arith.constant 48 : index
        %get3A_297 = tpu.vector_load %arg14[%get3A_295, %get3A_296] {strides = array<i32>} : memref<128x64xf32, #tpu.memory_space<vmem>>, vector<1x16xf32>,
        %get3A_298 = vector.shape_cast %get3A_297 : vector<1x16xf32> to vector<16xf32>
        %get3A_299 = arith.index_cast %add3A_270 : i32 to index
        %get3A_300 = arith.constant 0 : index
        %get3A_301 = tpu.vector_load %arg14[%get3A_299, %get3A_300] {strides = array<i32>} : memref<128x64xf32, #tpu.memory_space<vmem>>, vector<1x16xf32>,
        %get3A_302 = vector.shape_cast %get3A_301 : vector<1x16xf32> to vector<16xf32>
        %get3A_303 = arith.index_cast %add3A_274 : i32 to index
        %get3A_304 = arith.constant 16 : index
        %get3A_305 = tpu.vector_load %arg14[%get3A_303, %get3A_304] {strides = array<i32>} : memref<128x64xf32, #tpu.memory_space<vmem>>, vector<1x16xf32>,
        %get3A_306 = vector.shape_cast %get3A_305 : vector<1x16xf32> to vector<16xf32>
        %get3A_307 = arith.index_cast %add3A_278 : i32 to index
        %get3A_308 = arith.constant 32 : index
        %get3A_309 = tpu.vector_load %arg14[%get3A_307, %get3A_308] {strides = array<i32>} : memref<128x64xf32, #tpu.memory_space<vmem>>, vector<1x16xf32>,
        %get3A_310 = vector.shape_cast %get3A_309 : vector<1x16xf32> to vector<16xf32>
        %get3A_311 = arith.index_cast %add3A_282 : i32 to index
        %get3A_312 = arith.constant 48 : index
        %get3A_313 = tpu.vector_load %arg14[%get3A_311, %get3A_312] {strides = array<i32>} : memref<128x64xf32, #tpu.memory_space<vmem>>, vector<1x16xf32>,
        %get3A_314 = vector.shape_cast %get3A_313 : vector<1x16xf32> to vector<16xf32>
        %get3A_315 = arith.index_cast %scan3A_250 : i32 to index
        %get3A_316 = arith.constant 0 : index
        %get3A_317 = tpu.vector_load %arg16[%get3A_315, %get3A_316] {strides = array<i32>} : memref<64x128xf32, #tpu.memory_space<vmem>>, vector<1x16xf32>,
        %get3A_318 = vector.shape_cast %get3A_317 : vector<1x16xf32> to vector<16xf32>
        %get3A_319 = arith.index_cast %scan3A_250 : i32 to index
        %get3A_320 = arith.constant 16 : index
        %get3A_321 = tpu.vector_load %arg16[%get3A_319, %get3A_320] {strides = array<i32>} : memref<64x128xf32, #tpu.memory_space<vmem>>, vector<1x16xf32>,
        %get3A_322 = vector.shape_cast %get3A_321 : vector<1x16xf32> to vector<16xf32>
        %get3A_323 = arith.index_cast %scan3A_250 : i32 to index
        %get3A_324 = arith.constant 32 : index
        %get3A_325 = tpu.vector_load %arg16[%get3A_323, %get3A_324] {strides = array<i32>} : memref<64x128xf32, #tpu.memory_space<vmem>>, vector<1x16xf32>,
        %get3A_326 = vector.shape_cast %get3A_325 : vector<1x16xf32> to vector<16xf32>
        %get3A_327 = arith.index_cast %scan3A_250 : i32 to index
        %get3A_328 = arith.constant 48 : index
        %get3A_329 = tpu.vector_load %arg16[%get3A_327, %get3A_328] {strides = array<i32>} : memref<64x128xf32, #tpu.memory_space<vmem>>, vector<1x16xf32>,
        %get3A_330 = vector.shape_cast %get3A_329 : vector<1x16xf32> to vector<16xf32>
        %get3A_331 = arith.index_cast %scan3A_250 : i32 to index
        %get3A_332 = arith.constant 64 : index
        %get3A_333 = tpu.vector_load %arg16[%get3A_331, %get3A_332] {strides = array<i32>} : memref<64x128xf32, #tpu.memory_space<vmem>>, vector<1x16xf32>,
        %get3A_334 = vector.shape_cast %get3A_333 : vector<1x16xf32> to vector<16xf32>
        %get3A_335 = arith.index_cast %scan3A_250 : i32 to index
        %get3A_336 = arith.constant 80 : index
        %get3A_337 = tpu.vector_load %arg16[%get3A_335, %get3A_336] {strides = array<i32>} : memref<64x128xf32, #tpu.memory_space<vmem>>, vector<1x16xf32>,
        %get3A_338 = vector.shape_cast %get3A_337 : vector<1x16xf32> to vector<16xf32>
        %get3A_339 = arith.index_cast %scan3A_250 : i32 to index
        %get3A_340 = arith.constant 96 : index
        %get3A_341 = tpu.vector_load %arg16[%get3A_339, %get3A_340] {strides = array<i32>} : memref<64x128xf32, #tpu.memory_space<vmem>>, vector<1x16xf32>,
        %get3A_342 = vector.shape_cast %get3A_341 : vector<1x16xf32> to vector<16xf32>
        %get3A_343 = arith.index_cast %scan3A_250 : i32 to index
        %get3A_344 = arith.constant 112 : index
        %get3A_345 = tpu.vector_load %arg16[%get3A_343, %get3A_344] {strides = array<i32>} : memref<64x128xf32, #tpu.memory_space<vmem>>, vector<1x16xf32>,
        %get3A_346 = vector.shape_cast %get3A_345 : vector<1x16xf32> to vector<16xf32>
        %add3A_347 = arith.addf %get3A_286, %get3A_318 : vector<16xf32>
        %add3A_348 = arith.addf %get3A_290, %get3A_322 : vector<16xf32>
        %add3A_349 = arith.addf %get3A_294, %get3A_326 : vector<16xf32>
        %add3A_350 = arith.addf %get3A_298, %get3A_330 : vector<16xf32>
        %add3A_351 = arith.addf %get3A_302, %get3A_334 : vector<16xf32>
        %add3A_352 = arith.addf %get3A_306, %get3A_338 : vector<16xf32>
        %add3A_353 = arith.addf %get3A_310, %get3A_342 : vector<16xf32>
        %add3A_354 = arith.addf %get3A_314, %get3A_346 : vector<16xf32>
        %max3A = arith.constant 0.000000e+00 : f32
        %max3A_355 = vector.broadcast %max3A : f32 to vector<16xf32>
        %max3A_356 = arith.maximumf %add3A_347, %max3A_355 : vector<16xf32>
        %max3A_357 = arith.constant 0.000000e+00 : f32
        %max3A_358 = vector.broadcast %max3A_357 : f32 to vector<16xf32>
        %max3A_359 = arith.maximumf %add3A_348, %max3A_358 : vector<16xf32>
        %max3A_360 = arith.constant 0.000000e+00 : f32
        %max3A_361 = vector.broadcast %max3A_360 : f32 to vector<16xf32>
        %max3A_362 = arith.maximumf %add3A_349, %max3A_361 : vector<16xf32>
        %max3A_363 = arith.constant 0.000000e+00 : f32
        %max3A_364 = vector.broadcast %max3A_363 : f32 to vector<16xf32>
        %max3A_365 = arith.maximumf %add3A_350, %max3A_364 : vector<16xf32>
        %max3A_366 = arith.constant 0.000000e+00 : f32
        %max3A_367 = vector.broadcast %max3A_366 : f32 to vector<16xf32>
        %max3A_368 = arith.maximumf %add3A_351, %max3A_367 : vector<16xf32>
        %max3A_369 = arith.constant 0.000000e+00 : f32
        %max3A_370 = vector.broadcast %max3A_369 : f32 to vector<16xf32>
        %max3A_371 = arith.maximumf %add3A_352, %max3A_370 : vector<16xf32>
        %max3A_372 = arith.constant 0.000000e+00 : f32
        %max3A_373 = vector.broadcast %max3A_372 : f32 to vector<16xf32>
        %max3A_374 = arith.maximumf %add3A_353, %max3A_373 : vector<16xf32>
        %max3A_375 = arith.constant 0.000000e+00 : f32
        %max3A_376 = vector.broadcast %max3A_375 : f32 to vector<16xf32>
        %max3A_377 = arith.maximumf %add3A_354, %max3A_376 : vector<16xf32>
        %add3A_378 = arith.constant 1.000000e-07 : f32
        %add3A_379 = vector.broadcast %add3A_378 : f32 to vector<16xf32>
        %add3A_380 = arith.addf %max3A_356, %add3A_379 : vector<16xf32>
        %add3A_381 = arith.constant 1.000000e-07 : f32
        %add3A_382 = vector.broadcast %add3A_381 : f32 to vector<16xf32>
        %add3A_383 = arith.addf %max3A_359, %add3A_382 : vector<16xf32>
        %add3A_384 = arith.constant 1.000000e-07 : f32
        %add3A_385 = vector.broadcast %add3A_384 : f32 to vector<16xf32>
        %add3A_386 = arith.addf %max3A_362, %add3A_385 : vector<16xf32>
        %add3A_387 = arith.constant 1.000000e-07 : f32
        %add3A_388 = vector.broadcast %add3A_387 : f32 to vector<16xf32>
        %add3A_389 = arith.addf %max3A_365, %add3A_388 : vector<16xf32>
        %add3A_390 = arith.constant 1.000000e-07 : f32
        %add3A_391 = vector.broadcast %add3A_390 : f32 to vector<16xf32>
        %add3A_392 = arith.addf %max3A_368, %add3A_391 : vector<16xf32>
        %add3A_393 = arith.constant 1.000000e-07 : f32
        %add3A_394 = vector.broadcast %add3A_393 : f32 to vector<16xf32>
        %add3A_395 = arith.addf %max3A_371, %add3A_394 : vector<16xf32>
        %add3A_396 = arith.constant 1.000000e-07 : f32
        %add3A_397 = vector.broadcast %add3A_396 : f32 to vector<16xf32>
        %add3A_398 = arith.addf %max3A_374, %add3A_397 : vector<16xf32>
        %add3A_399 = arith.constant 1.000000e-07 : f32
        %add3A_400 = vector.broadcast %add3A_399 : f32 to vector<16xf32>
        %add3A_401 = arith.addf %max3A_377, %add3A_400 : vector<16xf32>
        %exp3A = math.exp %add3A_380 : vector<16xf32>
        %exp3A_402 = math.exp %add3A_383 : vector<16xf32>
        %exp3A_403 = math.exp %add3A_386 : vector<16xf32>
        %exp3A_404 = math.exp %add3A_389 : vector<16xf32>
        %exp3A_405 = math.exp %add3A_392 : vector<16xf32>
        %exp3A_406 = math.exp %add3A_395 : vector<16xf32>
        %exp3A_407 = math.exp %add3A_398 : vector<16xf32>
        %exp3A_408 = math.exp %add3A_401 : vector<16xf32>
        %mul3A_409 = arith.mulf %add3A_380, %exp3A : vector<16xf32>
        %mul3A_410 = arith.mulf %add3A_383, %exp3A_402 : vector<16xf32>
        %mul3A_411 = arith.mulf %add3A_386, %exp3A_403 : vector<16xf32>
        %mul3A_412 = arith.mulf %add3A_389, %exp3A_404 : vector<16xf32>
        %mul3A_413 = arith.mulf %add3A_392, %exp3A_405 : vector<16xf32>
        %mul3A_414 = arith.mulf %add3A_395, %exp3A_406 : vector<16xf32>
        %mul3A_415 = arith.mulf %add3A_398, %exp3A_407 : vector<16xf32>
        %mul3A_416 = arith.mulf %add3A_401, %exp3A_408 : vector<16xf32>
        %swap3A_417 = arith.index_cast %add3A_254 : i32 to index
        %swap3A_418 = arith.constant 0 : index
        %swap3A_419 = tpu.vector_load %arg17[%swap3A_417, %swap3A_418] {strides = array<i32>} : memref<128x128xf32, #tpu.memory_space<vmem>>, vector<1x16xf32>,
        %swap3A_420 = vector.shape_cast %swap3A_419 : vector<1x16xf32> to vector<16xf32>
        %swap3A_421 = vector.shape_cast %mul3A_409 : vector<16xf32> to vector<1x16xf32>
        tpu.vector_store %arg17[%swap3A_417, %swap3A_418], %swap3A_421 {strides = array<i32>} : memref<128x128xf32, #tpu.memory_space<vmem>>, vector<1x16xf32>,
        %swap3A_422 = arith.index_cast %add3A_258 : i32 to index
        %swap3A_423 = arith.constant 16 : index
        %swap3A_424 = tpu.vector_load %arg17[%swap3A_422, %swap3A_423] {strides = array<i32>} : memref<128x128xf32, #tpu.memory_space<vmem>>, vector<1x16xf32>,
        %swap3A_425 = vector.shape_cast %swap3A_424 : vector<1x16xf32> to vector<16xf32>
        %swap3A_426 = vector.shape_cast %mul3A_410 : vector<16xf32> to vector<1x16xf32>
        tpu.vector_store %arg17[%swap3A_422, %swap3A_423], %swap3A_426 {strides = array<i32>} : memref<128x128xf32, #tpu.memory_space<vmem>>, vector<1x16xf32>,
        %swap3A_427 = arith.index_cast %add3A_262 : i32 to index
        %swap3A_428 = arith.constant 32 : index
        %swap3A_429 = tpu.vector_load %arg17[%swap3A_427, %swap3A_428] {strides = array<i32>} : memref<128x128xf32, #tpu.memory_space<vmem>>, vector<1x16xf32>,
        %swap3A_430 = vector.shape_cast %swap3A_429 : vector<1x16xf32> to vector<16xf32>
        %swap3A_431 = vector.shape_cast %mul3A_411 : vector<16xf32> to vector<1x16xf32>
        tpu.vector_store %arg17[%swap3A_427, %swap3A_428], %swap3A_431 {strides = array<i32>} : memref<128x128xf32, #tpu.memory_space<vmem>>, vector<1x16xf32>,
        %swap3A_432 = arith.index_cast %add3A_266 : i32 to index
        %swap3A_433 = arith.constant 48 : index
        %swap3A_434 = tpu.vector_load %arg17[%swap3A_432, %swap3A_433] {strides = array<i32>} : memref<128x128xf32, #tpu.memory_space<vmem>>, vector<1x16xf32>,
        %swap3A_435 = vector.shape_cast %swap3A_434 : vector<1x16xf32> to vector<16xf32>
        %swap3A_436 = vector.shape_cast %mul3A_412 : vector<16xf32> to vector<1x16xf32>
        tpu.vector_store %arg17[%swap3A_432, %swap3A_433], %swap3A_436 {strides = array<i32>} : memref<128x128xf32, #tpu.memory_space<vmem>>, vector<1x16xf32>,
        %swap3A_437 = arith.index_cast %add3A_270 : i32 to index
        %swap3A_438 = arith.constant 0 : index
        %swap3A_439 = tpu.vector_load %arg17[%swap3A_437, %swap3A_438] {strides = array<i32>} : memref<128x128xf32, #tpu.memory_space<vmem>>, vector<1x16xf32>,
        %swap3A_440 = vector.shape_cast %swap3A_439 : vector<1x16xf32> to vector<16xf32>
        %swap3A_441 = vector.shape_cast %mul3A_413 : vector<16xf32> to vector<1x16xf32>
        tpu.vector_store %arg17[%swap3A_437, %swap3A_438], %swap3A_441 {strides = array<i32>} : memref<128x128xf32, #tpu.memory_space<vmem>>, vector<1x16xf32>,
        %swap3A_442 = arith.index_cast %add3A_274 : i32 to index
        %swap3A_443 = arith.constant 16 : index
        %swap3A_444 = tpu.vector_load %arg17[%swap3A_442, %swap3A_443] {strides = array<i32>} : memref<128x128xf32, #tpu.memory_space<vmem>>, vector<1x16xf32>,
        %swap3A_445 = vector.shape_cast %swap3A_444 : vector<1x16xf32> to vector<16xf32>
        %swap3A_446 = vector.shape_cast %mul3A_414 : vector<16xf32> to vector<1x16xf32>
        tpu.vector_store %arg17[%swap3A_442, %swap3A_443], %swap3A_446 {strides = array<i32>} : memref<128x128xf32, #tpu.memory_space<vmem>>, vector<1x16xf32>,
        %swap3A_447 = arith.index_cast %add3A_278 : i32 to index
        %swap3A_448 = arith.constant 32 : index
        %swap3A_449 = tpu.vector_load %arg17[%swap3A_447, %swap3A_448] {strides = array<i32>} : memref<128x128xf32, #tpu.memory_space<vmem>>, vector<1x16xf32>,
        %swap3A_450 = vector.shape_cast %swap3A_449 : vector<1x16xf32> to vector<16xf32>
        %swap3A_451 = vector.shape_cast %mul3A_415 : vector<16xf32> to vector<1x16xf32>
        tpu.vector_store %arg17[%swap3A_447, %swap3A_448], %swap3A_451 {strides = array<i32>} : memref<128x128xf32, #tpu.memory_space<vmem>>, vector<1x16xf32>,
        %swap3A_452 = arith.index_cast %add3A_282 : i32 to index
        %swap3A_453 = arith.constant 48 : index
        %swap3A_454 = tpu.vector_load %arg17[%swap3A_452, %swap3A_453] {strides = array<i32>} : memref<128x128xf32, #tpu.memory_space<vmem>>, vector<1x16xf32>,
        %swap3A_455 = vector.shape_cast %swap3A_454 : vector<1x16xf32> to vector<16xf32>
        %swap3A_456 = vector.shape_cast %mul3A_416 : vector<16xf32> to vector<1x16xf32>
        tpu.vector_store %arg17[%swap3A_452, %swap3A_453], %swap3A_456 {strides = array<i32>} : memref<128x128xf32, #tpu.memory_space<vmem>>, vector<1x16xf32>,
        %swap3A_457 = arith.index_cast %add3A_254 : i32 to index
        %swap3A_458 = arith.constant 64 : index
        %swap3A_459 = tpu.vector_load %arg17[%swap3A_457, %swap3A_458] {strides = array<i32>} : memref<128x128xf32, #tpu.memory_space<vmem>>, vector<1x16xf32>,
        %swap3A_460 = vector.shape_cast %swap3A_459 : vector<1x16xf32> to vector<16xf32>
        %swap3A_461 = vector.shape_cast %exp3A : vector<16xf32> to vector<1x16xf32>
        tpu.vector_store %arg17[%swap3A_457, %swap3A_458], %swap3A_461 {strides = array<i32>} : memref<128x128xf32, #tpu.memory_space<vmem>>, vector<1x16xf32>,
        %swap3A_462 = arith.index_cast %add3A_258 : i32 to index
        %swap3A_463 = arith.constant 80 : index
        %swap3A_464 = tpu.vector_load %arg17[%swap3A_462, %swap3A_463] {strides = array<i32>} : memref<128x128xf32, #tpu.memory_space<vmem>>, vector<1x16xf32>,
        %swap3A_465 = vector.shape_cast %swap3A_464 : vector<1x16xf32> to vector<16xf32>
        %swap3A_466 = vector.shape_cast %exp3A_402 : vector<16xf32> to vector<1x16xf32>
        tpu.vector_store %arg17[%swap3A_462, %swap3A_463], %swap3A_466 {strides = array<i32>} : memref<128x128xf32, #tpu.memory_space<vmem>>, vector<1x16xf32>,
        %swap3A_467 = arith.index_cast %add3A_262 : i32 to index
        %swap3A_468 = arith.constant 96 : index
        %swap3A_469 = tpu.vector_load %arg17[%swap3A_467, %swap3A_468] {strides = array<i32>} : memref<128x128xf32, #tpu.memory_space<vmem>>, vector<1x16xf32>,
        %swap3A_470 = vector.shape_cast %swap3A_469 : vector<1x16xf32> to vector<16xf32>
        %swap3A_471 = vector.shape_cast %exp3A_403 : vector<16xf32> to vector<1x16xf32>
        tpu.vector_store %arg17[%swap3A_467, %swap3A_468], %swap3A_471 {strides = array<i32>} : memref<128x128xf32, #tpu.memory_space<vmem>>, vector<1x16xf32>,
        %swap3A_472 = arith.index_cast %add3A_266 : i32 to index
        %swap3A_473 = arith.constant 112 : index
        %swap3A_474 = tpu.vector_load %arg17[%swap3A_472, %swap3A_473] {strides = array<i32>} : memref<128x128xf32, #tpu.memory_space<vmem>>, vector<1x16xf32>,
        %swap3A_475 = vector.shape_cast %swap3A_474 : vector<1x16xf32> to vector<16xf32>
        %swap3A_476 = vector.shape_cast %exp3A_404 : vector<16xf32> to vector<1x16xf32>
        tpu.vector_store %arg17[%swap3A_472, %swap3A_473], %swap3A_476 {strides = array<i32>} : memref<128x128xf32, #tpu.memory_space<vmem>>, vector<1x16xf32>,
        %swap3A_477 = arith.index_cast %add3A_270 : i32 to index
        %swap3A_478 = arith.constant 64 : index
        %swap3A_479 = tpu.vector_load %arg17[%swap3A_477, %swap3A_478] {strides = array<i32>} : memref<128x128xf32, #tpu.memory_space<vmem>>, vector<1x16xf32>,
        %swap3A_480 = vector.shape_cast %swap3A_479 : vector<1x16xf32> to vector<16xf32>
        %swap3A_481 = vector.shape_cast %exp3A_405 : vector<16xf32> to vector<1x16xf32>
        tpu.vector_store %arg17[%swap3A_477, %swap3A_478], %swap3A_481 {strides = array<i32>} : memref<128x128xf32, #tpu.memory_space<vmem>>, vector<1x16xf32>,
        %swap3A_482 = arith.index_cast %add3A_274 : i32 to index
        %swap3A_483 = arith.constant 80 : index
        %swap3A_484 = tpu.vector_load %arg17[%swap3A_482, %swap3A_483] {strides = array<i32>} : memref<128x128xf32, #tpu.memory_space<vmem>>, vector<1x16xf32>,
        %swap3A_485 = vector.shape_cast %swap3A_484 : vector<1x16xf32> to vector<16xf32>
        %swap3A_486 = vector.shape_cast %exp3A_406 : vector<16xf32> to vector<1x16xf32>
        tpu.vector_store %arg17[%swap3A_482, %swap3A_483], %swap3A_486 {strides = array<i32>} : memref<128x128xf32, #tpu.memory_space<vmem>>, vector<1x16xf32>,
        %swap3A_487 = arith.index_cast %add3A_278 : i32 to index
        %swap3A_488 = arith.constant 96 : index
        %swap3A_489 = tpu.vector_load %arg17[%swap3A_487, %swap3A_488] {strides = array<i32>} : memref<128x128xf32, #tpu.memory_space<vmem>>, vector<1x16xf32>,
        %swap3A_490 = vector.shape_cast %swap3A_489 : vector<1x16xf32> to vector<16xf32>
        %swap3A_491 = vector.shape_cast %exp3A_407 : vector<16xf32> to vector<1x16xf32>
        tpu.vector_store %arg17[%swap3A_487, %swap3A_488], %swap3A_491 {strides = array<i32>} : memref<128x128xf32, #tpu.memory_space<vmem>>, vector<1x16xf32>,
        %swap3A_492 = arith.index_cast %add3A_282 : i32 to index
        %swap3A_493 = arith.constant 112 : index
        %swap3A_494 = tpu.vector_load %arg17[%swap3A_492, %swap3A_493] {strides = array<i32>} : memref<128x128xf32, #tpu.memory_space<vmem>>, vector<1x16xf32>,
        %swap3A_495 = vector.shape_cast %swap3A_494 : vector<1x16xf32> to vector<16xf32>
        %swap3A_496 = vector.shape_cast %exp3A_408 : vector<16xf32> to vector<1x16xf32>
        tpu.vector_store %arg17[%swap3A_492, %swap3A_493], %swap3A_496 {strides = array<i32>} : memref<128x128xf32, #tpu.memory_space<vmem>>, vector<1x16xf32>,
      }
      %scan3A_244 = arith.constant 64 : i32
      "tpu.region"() ({
        %run_scoped3A = tpu.sem_alloc : memref<!tpu.dma_semaphore, #tpu.memory_space<semaphore_mem>>
        %dma_start3A_250 = arith.constant 0 : i32
        %dma_start3A_251 = arith.constant 0 : i32
        %dma_start3A_252 = tpu.memref_slice %arg8[%dma_start3A_250, %dma_start3A_251] : memref<10112x128xf32, #tpu.memory_space<vmem_shared>> -> memref<10112x128xf32, #tpu.memory_space<vmem_shared>>
        tpu.enqueue_indirect_dma source(%arg17 : memref<128x128xf32, #tpu.memory_space<vmem>>) target(%dma_start3A_252 : memref<10112x128xf32, #tpu.memory_space<vmem_shared>>) offsets(%arg12 : memref<128xi32, #tpu.memory_space<vmem>>) semaphore(%run_scoped3A : memref<!tpu.dma_semaphore, #tpu.memory_space<semaphore_mem>>) {add = true}
        %dma_wait3A_253 = arith.constant 0 : i32
        %dma_wait3A_254 = arith.constant 0 : i32
        %dma_wait3A_255 = tpu.memref_slice %arg8[%dma_wait3A_253, %dma_wait3A_254] : memref<10112x128xf32, #tpu.memory_space<vmem_shared>> -> memref<10112x128xf32, #tpu.memory_space<vmem_shared>>
        tpu.wait_indirect_dma semaphore(%run_scoped3A : memref<!tpu.dma_semaphore, #tpu.memory_space<semaphore_mem>>) src(%arg17 : memref<128x128xf32, #tpu.memory_space<vmem>>) dst(%dma_wait3A_255 : memref<10112x128xf32, #tpu.memory_space<vmem_shared>>)
        tpu.yield
      }) : () -> ()
      %lt3A_245 = arith.constant 79 : i32
      %lt3A_246 = arith.cmpi slt, %scan3A_117, %lt3A_245 : i32
      %convert_element_type3A_247 = arith.extui %lt3A_246 : i1 to i32
      %cond3A_248 = arith.constant 0 : i32
      %cond3A_249 = arith.cmpi ne, %convert_element_type3A_247, %cond3A_248 : i32
      scf.if %cond3A_249 {
        %add3A_250 = arith.constant 2 : i32
        %add3A_251 = arith.addi %add3A_121, %add3A_250 : i32
        %mul3A_252 = arith.constant 128 : i32
        %mul3A_253 = arith.muli %add3A_251, %mul3A_252 : i32
        %add3A_254 = arith.addi %mul3A_2, %mul3A_253 : i32
        %dma_start3A_255 = tpu.memref_slice %arg4[%add3A_254] : memref<327680xi32, #tpu.memory_space<hbm>> -> memref<128xi32, #tpu.memory_space<hbm>>
        %dma_start3A_256 = tpu.memref_slice %arg4[%add3A_254] : memref<327680xi32, #tpu.memory_space<hbm>> -> memref<128xi32, #tpu.memory_space<hbm>>
        tpu.enqueue_dma source(%dma_start3A_256 : memref<128xi32, #tpu.memory_space<hbm>>) target(%arg11 : memref<128xi32, #tpu.memory_space<vmem>>) target_semaphore(%arg23 : memref<!tpu.dma_semaphore, #tpu.memory_space<semaphore_mem>>)
        %dma_start3A_257 = tpu.memref_slice %arg5[%add3A_254] : memref<327680xi32, #tpu.memory_space<hbm>> -> memref<128xi32, #tpu.memory_space<hbm>>
        %dma_start3A_258 = tpu.memref_slice %arg5[%add3A_254] : memref<327680xi32, #tpu.memory_space<hbm>> -> memref<128xi32, #tpu.memory_space<hbm>>
        tpu.enqueue_dma source(%dma_start3A_258 : memref<128xi32, #tpu.memory_space<hbm>>) target(%arg12 : memref<128xi32, #tpu.memory_space<vmem>>) target_semaphore(%arg23 : memref<!tpu.dma_semaphore, #tpu.memory_space<semaphore_mem>>)
        %add3A_259 = arith.constant 2 : i32
        %add3A_260 = arith.addi %mul3A_119, %add3A_259 : i32
        %mul3A_261 = arith.constant 128 : i32
        %mul3A_262 = arith.muli %add3A_260, %mul3A_261 : i32
        %add3A_263 = arith.addi %mul3A_2, %mul3A_262 : i32
        %dma_wait3A_264 = tpu.memref_slice %arg4[%add3A_263] : memref<327680xi32, #tpu.memory_space<hbm>> -> memref<128xi32, #tpu.memory_space<hbm>>
        %dma_wait3A_265 = tpu.memref_slice %arg4[%add3A_263] : memref<327680xi32, #tpu.memory_space<hbm>> -> memref<128xi32, #tpu.memory_space<hbm>>
        tpu.wait_dma2 semaphore(%arg22 : memref<!tpu.dma_semaphore, #tpu.memory_space<semaphore_mem>>) src(%dma_wait3A_265 : memref<128xi32, #tpu.memory_space<hbm>>) dst(%arg9 : memref<128xi32, #tpu.memory_space<vmem>>)
        %dma_wait3A_266 = tpu.memref_slice %arg5[%add3A_263] : memref<327680xi32, #tpu.memory_space<hbm>> -> memref<128xi32, #tpu.memory_space<hbm>>
        %dma_wait3A_267 = tpu.memref_slice %arg5[%add3A_263] : memref<327680xi32, #tpu.memory_space<hbm>> -> memref<128xi32, #tpu.memory_space<hbm>>
        tpu.wait_dma2 semaphore(%arg22 : memref<!tpu.dma_semaphore, #tpu.memory_space<semaphore_mem>>) src(%dma_wait3A_267 : memref<128xi32, #tpu.memory_space<hbm>>) dst(%arg10 : memref<128xi32, #tpu.memory_space<vmem>>)
        %get3A_268 = arith.constant 0 : index
        %get3A_269 = tpu.vector_load %arg9[%get3A_268] {strides = array<i32>} : memref<128xi32, #tpu.memory_space<vmem>>, vector<16xi32>,
        %get3A_270 = vector.shape_cast %get3A_269 : vector<16xi32> to vector<16xi32>
        %add3A_271 = vector.broadcast %mul3A_8 : i32 to vector<16xi32>
        %add3A_272 = arith.addi %get3A_270, %add3A_271 : vector<16xi32>
        %swap3A_273 = arith.constant 0 : index
        %swap3A_274 = tpu.vector_load %arg9[%swap3A_273] {strides = array<i32>} : memref<128xi32, #tpu.memory_space<vmem>>, vector<16xi32>,
        %swap3A_275 = vector.shape_cast %swap3A_274 : vector<16xi32> to vector<16xi32>
        %swap3A_276 = vector.shape_cast %add3A_272 : vector<16xi32> to vector<16xi32>
        tpu.vector_store %arg9[%swap3A_273], %swap3A_276 {strides = array<i32>} : memref<128xi32, #tpu.memory_space<vmem>>, vector<16xi32>,
        %get3A_277 = arith.constant 16 : index
        %get3A_278 = tpu.vector_load %arg9[%get3A_277] {strides = array<i32>} : memref<128xi32, #tpu.memory_space<vmem>>, vector<16xi32>,
        %get3A_279 = vector.shape_cast %get3A_278 : vector<16xi32> to vector<16xi32>
        %add3A_280 = vector.broadcast %mul3A_8 : i32 to vector<16xi32>
        %add3A_281 = arith.addi %get3A_279, %add3A_280 : vector<16xi32>
        %swap3A_282 = arith.constant 16 : index
        %swap3A_283 = tpu.vector_load %arg9[%swap3A_282] {strides = array<i32>} : memref<128xi32, #tpu.memory_space<vmem>>, vector<16xi32>,
        %swap3A_284 = vector.shape_cast %swap3A_283 : vector<16xi32> to vector<16xi32>
        %swap3A_285 = vector.shape_cast %add3A_281 : vector<16xi32> to vector<16xi32>
        tpu.vector_store %arg9[%swap3A_282], %swap3A_285 {strides = array<i32>} : memref<128xi32, #tpu.memory_space<vmem>>, vector<16xi32>,
        %get3A_286 = arith.constant 32 : index
        %get3A_287 = tpu.vector_load %arg9[%get3A_286] {strides = array<i32>} : memref<128xi32, #tpu.memory_space<vmem>>, vector<16xi32>,
        %get3A_288 = vector.shape_cast %get3A_287 : vector<16xi32> to vector<16xi32>
        %add3A_289 = vector.broadcast %mul3A_8 : i32 to vector<16xi32>
        %add3A_290 = arith.addi %get3A_288, %add3A_289 : vector<16xi32>
        %swap3A_291 = arith.constant 32 : index
        %swap3A_292 = tpu.vector_load %arg9[%swap3A_291] {strides = array<i32>} : memref<128xi32, #tpu.memory_space<vmem>>, vector<16xi32>,
        %swap3A_293 = vector.shape_cast %swap3A_292 : vector<16xi32> to vector<16xi32>
        %swap3A_294 = vector.shape_cast %add3A_290 : vector<16xi32> to vector<16xi32>
        tpu.vector_store %arg9[%swap3A_291], %swap3A_294 {strides = array<i32>} : memref<128xi32, #tpu.memory_space<vmem>>, vector<16xi32>,
        %get3A_295 = arith.constant 48 : index
        %get3A_296 = tpu.vector_load %arg9[%get3A_295] {strides = array<i32>} : memref<128xi32, #tpu.memory_space<vmem>>, vector<16xi32>,
        %get3A_297 = vector.shape_cast %get3A_296 : vector<16xi32> to vector<16xi32>
        %add3A_298 = vector.broadcast %mul3A_8 : i32 to vector<16xi32>
        %add3A_299 = arith.addi %get3A_297, %add3A_298 : vector<16xi32>
        %swap3A_300 = arith.constant 48 : index
        %swap3A_301 = tpu.vector_load %arg9[%swap3A_300] {strides = array<i32>} : memref<128xi32, #tpu.memory_space<vmem>>, vector<16xi32>,
        %swap3A_302 = vector.shape_cast %swap3A_301 : vector<16xi32> to vector<16xi32>
        %swap3A_303 = vector.shape_cast %add3A_299 : vector<16xi32> to vector<16xi32>
        tpu.vector_store %arg9[%swap3A_300], %swap3A_303 {strides = array<i32>} : memref<128xi32, #tpu.memory_space<vmem>>, vector<16xi32>,
        %get3A_304 = arith.constant 64 : index
        %get3A_305 = tpu.vector_load %arg9[%get3A_304] {strides = array<i32>} : memref<128xi32, #tpu.memory_space<vmem>>, vector<16xi32>,
        %get3A_306 = vector.shape_cast %get3A_305 : vector<16xi32> to vector<16xi32>
        %add3A_307 = vector.broadcast %mul3A_8 : i32 to vector<16xi32>
        %add3A_308 = arith.addi %get3A_306, %add3A_307 : vector<16xi32>
        %swap3A_309 = arith.constant 64 : index
        %swap3A_310 = tpu.vector_load %arg9[%swap3A_309] {strides = array<i32>} : memref<128xi32, #tpu.memory_space<vmem>>, vector<16xi32>,
        %swap3A_311 = vector.shape_cast %swap3A_310 : vector<16xi32> to vector<16xi32>
        %swap3A_312 = vector.shape_cast %add3A_308 : vector<16xi32> to vector<16xi32>
        tpu.vector_store %arg9[%swap3A_309], %swap3A_312 {strides = array<i32>} : memref<128xi32, #tpu.memory_space<vmem>>, vector<16xi32>,
        %get3A_313 = arith.constant 80 : index
        %get3A_314 = tpu.vector_load %arg9[%get3A_313] {strides = array<i32>} : memref<128xi32, #tpu.memory_space<vmem>>, vector<16xi32>,
        %get3A_315 = vector.shape_cast %get3A_314 : vector<16xi32> to vector<16xi32>
        %add3A_316 = vector.broadcast %mul3A_8 : i32 to vector<16xi32>
        %add3A_317 = arith.addi %get3A_315, %add3A_316 : vector<16xi32>
        %swap3A_318 = arith.constant 80 : index
        %swap3A_319 = tpu.vector_load %arg9[%swap3A_318] {strides = array<i32>} : memref<128xi32, #tpu.memory_space<vmem>>, vector<16xi32>,
        %swap3A_320 = vector.shape_cast %swap3A_319 : vector<16xi32> to vector<16xi32>
        %swap3A_321 = vector.shape_cast %add3A_317 : vector<16xi32> to vector<16xi32>
        tpu.vector_store %arg9[%swap3A_318], %swap3A_321 {strides = array<i32>} : memref<128xi32, #tpu.memory_space<vmem>>, vector<16xi32>,
        %get3A_322 = arith.constant 96 : index
        %get3A_323 = tpu.vector_load %arg9[%get3A_322] {strides = array<i32>} : memref<128xi32, #tpu.memory_space<vmem>>, vector<16xi32>,
        %get3A_324 = vector.shape_cast %get3A_323 : vector<16xi32> to vector<16xi32>
        %add3A_325 = vector.broadcast %mul3A_8 : i32 to vector<16xi32>
        %add3A_326 = arith.addi %get3A_324, %add3A_325 : vector<16xi32>
        %swap3A_327 = arith.constant 96 : index
        %swap3A_328 = tpu.vector_load %arg9[%swap3A_327] {strides = array<i32>} : memref<128xi32, #tpu.memory_space<vmem>>, vector<16xi32>,
        %swap3A_329 = vector.shape_cast %swap3A_328 : vector<16xi32> to vector<16xi32>
        %swap3A_330 = vector.shape_cast %add3A_326 : vector<16xi32> to vector<16xi32>
        tpu.vector_store %arg9[%swap3A_327], %swap3A_330 {strides = array<i32>} : memref<128xi32, #tpu.memory_space<vmem>>, vector<16xi32>,
        %get3A_331 = arith.constant 112 : index
        %get3A_332 = tpu.vector_load %arg9[%get3A_331] {strides = array<i32>} : memref<128xi32, #tpu.memory_space<vmem>>, vector<16xi32>,
        %get3A_333 = vector.shape_cast %get3A_332 : vector<16xi32> to vector<16xi32>
        %add3A_334 = vector.broadcast %mul3A_8 : i32 to vector<16xi32>
        %add3A_335 = arith.addi %get3A_333, %add3A_334 : vector<16xi32>
        %swap3A_336 = arith.constant 112 : index
        %swap3A_337 = tpu.vector_load %arg9[%swap3A_336] {strides = array<i32>} : memref<128xi32, #tpu.memory_space<vmem>>, vector<16xi32>,
        %swap3A_338 = vector.shape_cast %swap3A_337 : vector<16xi32> to vector<16xi32>
        %swap3A_339 = vector.shape_cast %add3A_335 : vector<16xi32> to vector<16xi32>
        tpu.vector_store %arg9[%swap3A_336], %swap3A_339 {strides = array<i32>} : memref<128xi32, #tpu.memory_space<vmem>>, vector<16xi32>,
        %add3A_340 = arith.constant 2 : i32
        %add3A_341 = arith.addi %mul3A_119, %add3A_340 : i32
        %dma_start3A_342 = arith.constant 0 : i32
        %dma_start3A_343 = arith.constant 0 : i32
        %dma_start3A_344 = tpu.memref_slice %arg2[%dma_start3A_342, %dma_start3A_343] : memref<20000x64xf32, #tpu.memory_space<hbm>> -> memref<20000x64xf32, #tpu.memory_space<hbm>>
        tpu.enqueue_indirect_dma source(%dma_start3A_344 : memref<20000x64xf32, #tpu.memory_space<hbm>>) target(%arg13 : memref<128x64xf32, #tpu.memory_space<vmem>>) offsets(%arg9 : memref<128xi32, #tpu.memory_space<vmem>>) semaphore(%arg18 : memref<!tpu.dma_semaphore, #tpu.memory_space<semaphore_mem>>)
        %mul3A_345 = arith.constant 64 : i32
        %mul3A_346 = arith.muli %add3A_341, %mul3A_345 : i32
        %add3A_347 = arith.addi %add3A, %mul3A_346 : i32
        %dma_start3A_348 = arith.constant 0 : i32
        %dma_start3A_349 = tpu.memref_slice %arg3[%add3A_347, %dma_start3A_348] : memref<327680x128xf32, #tpu.memory_space<hbm>> -> memref<64x128xf32, #tpu.memory_space<hbm>>
        %dma_start3A_350 = arith.constant 0 : i32
        %dma_start3A_351 = tpu.memref_slice %arg3[%add3A_347, %dma_start3A_350] : memref<327680x128xf32, #tpu.memory_space<hbm>> -> memref<64x128xf32, #tpu.memory_space<hbm>>
        tpu.enqueue_dma source(%dma_start3A_351 : memref<64x128xf32, #tpu.memory_space<hbm>>) target(%arg15 : memref<64x128xf32, #tpu.memory_space<vmem>>) target_semaphore(%arg20 : memref<!tpu.dma_semaphore, #tpu.memory_space<semaphore_mem>>)
      } else {
      }
    }
    %scan3A_108 = arith.constant 80 : i32
    %barrier3A_109 = arith.constant 0 : index
    tpu.barrier barrier_id(%barrier3A_109)
    %mul3A_110 = arith.constant 632 : i32
    %mul3A_111 = arith.muli %arg1, %mul3A_110 : i32
    %mul3A_112 = arith.constant 10112 : i32
    %mul3A_113 = arith.muli %arg0, %mul3A_112 : i32
    %mul3A_114 = arith.constant 632 : i32
    %mul3A_115 = arith.muli %arg1, %mul3A_114 : i32
    %add3A_116 = arith.addi %mul3A_113, %mul3A_115 : i32
    "tpu.region"() ({
      %run_scoped3A = tpu.sem_alloc : memref<!tpu.dma_semaphore, #tpu.memory_space<semaphore_mem>>
      %dma_start3A_117 = arith.constant 0 : i32
      %dma_start3A_118 = tpu.memref_slice %arg7[%add3A_116, %dma_start3A_117] : memref<20224x128xf32, #tpu.memory_space<hbm>> -> memref<632x128xf32, #tpu.memory_space<hbm>>
      %dma_start3A_119 = arith.constant 0 : i32
      %dma_start3A_120 = tpu.memref_slice %arg8[%mul3A_111, %dma_start3A_119] : memref<10112x128xf32, #tpu.memory_space<vmem_shared>> -> memref<632x128xf32, #tpu.memory_space<vmem_shared>>
      tpu.enqueue_dma source(%dma_start3A_120 : memref<632x128xf32, #tpu.memory_space<vmem_shared>>) target(%dma_start3A_118 : memref<632x128xf32, #tpu.memory_space<hbm>>) target_semaphore(%run_scoped3A : memref<!tpu.dma_semaphore, #tpu.memory_space<semaphore_mem>>)
      %dma_wait3A_121 = arith.constant 0 : i32
      %dma_wait3A_122 = tpu.memref_slice %arg7[%add3A_116, %dma_wait3A_121] : memref<20224x128xf32, #tpu.memory_space<hbm>> -> memref<632x128xf32, #tpu.memory_space<hbm>>
      %dma_wait3A_123 = arith.constant 0 : i32
      %dma_wait3A_124 = tpu.memref_slice %arg8[%mul3A_111, %dma_wait3A_123] : memref<10112x128xf32, #tpu.memory_space<vmem_shared>> -> memref<632x128xf32, #tpu.memory_space<vmem_shared>>
      tpu.wait_dma2 semaphore(%run_scoped3A : memref<!tpu.dma_semaphore, #tpu.memory_space<semaphore_mem>>) src(%dma_wait3A_124 : memref<632x128xf32, #tpu.memory_space<vmem_shared>>) dst(%dma_wait3A_122 : memref<632x128xf32, #tpu.memory_space<hbm>>)
      tpu.yield
    }) : () -> ()
    return
  }
}

module attributes {stable_mosaic.version = 14 : i64} {
  func.func @_emb_body(%arg0: memref<10000x128xf32, #tpu.memory_space<vmem>>, %arg1: memref<128x128xf32, #tpu.memory_space<vmem>>, %arg2: memref<128xf32, #tpu.memory_space<vmem>>, %arg3: memref<128xf32, #tpu.memory_space<vmem>>, %arg4: memref<128xf32, #tpu.memory_space<vmem>>, %arg5: memref<10000x128xf32, #tpu.memory_space<vmem>>, %arg6: memref<2x10000x64xf32, #tpu.memory_space<vmem>>) attributes {dimension_semantics = [], scalar_prefetch = 0 : i64, scratch_operands = 0 : i64, tpu.core_type = #tpu.core_type<tc>} {
    %get3A = arith.constant 0 : index
    %get3A_0 = arith.constant 0 : index
    %get3A_1 = vector.load %arg0[%get3A, %get3A_0] : memref<10000x128xf32, #tpu.memory_space<vmem>>, vector<10000x128xf32>
    %get3A_2 = arith.constant 0 : index
    %get3A_3 = arith.constant 0 : index
    %get3A_4 = vector.load %arg1[%get3A_2, %get3A_3] : memref<128x128xf32, #tpu.memory_space<vmem>>, vector<128x128xf32>
    %dot_general3A = arith.constant dense<0.000000e+00> : vector<10000x128xf32>
    %dot_general3A_5 = tpu.matmul %get3A_1, %get3A_4, %dot_general3A {dimension_numbers = #tpu.dot_dimension_numbers<[1], [0], [0], [1], [0, 0, 1, 1], [], []>, transpose_lhs_hint = false} : vector<10000x128xf32>, vector<128x128xf32>, vector<10000x128xf32> -> vector<10000x128xf32>
    %get3A_6 = arith.constant 0 : index
    %get3A_7 = vector.load %arg2[%get3A_6] : memref<128xf32, #tpu.memory_space<vmem>>, vector<128xf32>
    %broadcast_in_dim3A = vector.shape_cast %get3A_7 : vector<128xf32> to vector<1x128xf32>
    %add3A = vector.broadcast %broadcast_in_dim3A : vector<1x128xf32> to vector<10000x128xf32>
    %add3A_8 = arith.addf %dot_general3A_5, %add3A : vector<10000x128xf32>
    %reduce_sum3A = arith.constant dense<0.000000e+00> : vector<10000xf32>
    %reduce_sum3A_9 = vector.multi_reduction <add>, %add3A_8, %reduce_sum3A [1] : vector<10000x128xf32> to vector<10000xf32>
    %broadcast_in_dim3A_10 = vector.shape_cast %reduce_sum3A_9 : vector<10000xf32> to vector<10000x1xf32>
    %div3A = arith.constant 1.280000e+02 : f32
    %div3A_11 = vector.broadcast %div3A : f32 to vector<10000x1xf32>
    %div3A_12 = arith.divf %broadcast_in_dim3A_10, %div3A_11 : vector<10000x1xf32>
    %sub3A = vector.broadcast %div3A_12 : vector<10000x1xf32> to vector<10000x128xf32>
    %sub3A_13 = arith.subf %add3A_8, %sub3A : vector<10000x128xf32>
    %integer_pow3A = arith.mulf %sub3A_13, %sub3A_13 : vector<10000x128xf32>
    %reduce_sum3A_14 = arith.constant dense<0.000000e+00> : vector<10000xf32>
    %reduce_sum3A_15 = vector.multi_reduction <add>, %integer_pow3A, %reduce_sum3A_14 [1] : vector<10000x128xf32> to vector<10000xf32>
    %broadcast_in_dim3A_16 = vector.shape_cast %reduce_sum3A_15 : vector<10000xf32> to vector<10000x1xf32>
    %div3A_17 = arith.constant 1.280000e+02 : f32
    %div3A_18 = vector.broadcast %div3A_17 : f32 to vector<10000x1xf32>
    %div3A_19 = arith.divf %broadcast_in_dim3A_16, %div3A_18 : vector<10000x1xf32>
    %sub3A_20 = vector.broadcast %div3A_12 : vector<10000x1xf32> to vector<10000x128xf32>
    %sub3A_21 = arith.subf %add3A_8, %sub3A_20 : vector<10000x128xf32>
    %add3A_22 = arith.constant 9.99999974E-6 : f32
    %add3A_23 = vector.broadcast %add3A_22 : f32 to vector<10000x1xf32>
    %add3A_24 = arith.addf %div3A_19, %add3A_23 : vector<10000x1xf32>
    %sqrt3A = math.sqrt %add3A_24 : vector<10000x1xf32>
    %div3A_25 = vector.broadcast %sqrt3A : vector<10000x1xf32> to vector<10000x128xf32>
    %div3A_26 = arith.divf %sub3A_21, %div3A_25 : vector<10000x128xf32>
    %get3A_27 = arith.constant 0 : index
    %get3A_28 = vector.load %arg3[%get3A_27] : memref<128xf32, #tpu.memory_space<vmem>>, vector<128xf32>
    %broadcast_in_dim3A_29 = vector.shape_cast %get3A_28 : vector<128xf32> to vector<1x128xf32>
    %mul3A = vector.broadcast %broadcast_in_dim3A_29 : vector<1x128xf32> to vector<10000x128xf32>
    %mul3A_30 = arith.mulf %div3A_26, %mul3A : vector<10000x128xf32>
    %get3A_31 = arith.constant 0 : index
    %get3A_32 = vector.load %arg4[%get3A_31] : memref<128xf32, #tpu.memory_space<vmem>>, vector<128xf32>
    %broadcast_in_dim3A_33 = vector.shape_cast %get3A_32 : vector<128xf32> to vector<1x128xf32>
    %add3A_34 = vector.broadcast %broadcast_in_dim3A_33 : vector<1x128xf32> to vector<10000x128xf32>
    %add3A_35 = arith.addf %mul3A_30, %add3A_34 : vector<10000x128xf32>
    %max3A = arith.constant 0.000000e+00 : f32
    %max3A_36 = vector.broadcast %max3A : f32 to vector<10000x128xf32>
    %max3A_37 = arith.maximumf %add3A_35, %max3A_36 : vector<10000x128xf32>
    %swap3A = arith.constant 0 : index
    %swap3A_38 = arith.constant 0 : index
    %swap3A_39 = vector.load %arg5[%swap3A, %swap3A_38] : memref<10000x128xf32, #tpu.memory_space<vmem>>, vector<10000x128xf32>
    tpu.vector_store %arg5[%swap3A, %swap3A_38], %max3A_37 {strides = array<i32>} : memref<10000x128xf32, #tpu.memory_space<vmem>>, vector<10000x128xf32>,
    %slice3A = vector.extract_strided_slice %max3A_37 {offsets = [0, 0], sizes = [10000, 64], strides = [1, 1]} : vector<10000x128xf32> to vector<10000x64xf32>
    %swap3A_40 = arith.constant 0 : index
    %swap3A_41 = arith.constant 0 : index
    %swap3A_42 = arith.constant 0 : index
    %swap3A_43 = vector.load %arg6[%swap3A_40, %swap3A_41, %swap3A_42] : memref<2x10000x64xf32, #tpu.memory_space<vmem>>, vector<1x10000x64xf32>
    %swap3A_44 = vector.shape_cast %swap3A_43 : vector<1x10000x64xf32> to vector<10000x64xf32>
    %swap3A_45 = vector.shape_cast %slice3A : vector<10000x64xf32> to vector<1x10000x64xf32>
    tpu.vector_store %arg6[%swap3A_40, %swap3A_41, %swap3A_42], %swap3A_45 {strides = array<i32>} : memref<2x10000x64xf32, #tpu.memory_space<vmem>>, vector<1x10000x64xf32>,
    %slice3A_46 = vector.extract_strided_slice %max3A_37 {offsets = [0, 64], sizes = [10000, 64], strides = [1, 1]} : vector<10000x128xf32> to vector<10000x64xf32>
    %swap3A_47 = arith.constant 1 : index
    %swap3A_48 = arith.constant 0 : index
    %swap3A_49 = arith.constant 0 : index
    %swap3A_50 = vector.load %arg6[%swap3A_47, %swap3A_48, %swap3A_49] : memref<2x10000x64xf32, #tpu.memory_space<vmem>>, vector<1x10000x64xf32>
    %swap3A_51 = vector.shape_cast %swap3A_50 : vector<1x10000x64xf32> to vector<10000x64xf32>
    %swap3A_52 = vector.shape_cast %slice3A_46 : vector<10000x64xf32> to vector<1x10000x64xf32>
    tpu.vector_store %arg6[%swap3A_47, %swap3A_48, %swap3A_49], %swap3A_52 {strides = array<i32>} : memref<2x10000x64xf32, #tpu.memory_space<vmem>>, vector<1x10000x64xf32>,
    return
  }
}

module attributes {stable_mosaic.version = 14 : i64} {
  func.func @_edge_body(%arg0: i32, %arg1: i32, %arg2: memref<16384x32xf32, #tpu.memory_space<vmem>>, %arg3: memref<1x32x128xf32, #tpu.memory_space<vmem>>, %arg4: memref<8x128xf32, #tpu.memory_space<vmem>>, %arg5: memref<16384x128xf32, #tpu.memory_space<vmem>>) attributes {dimension_semantics = [#tpu.dimension_semantics<arbitrary>, #tpu.dimension_semantics<arbitrary>], iteration_bounds = array<i64: 2, 10>, scalar_prefetch = 0 : i64, scratch_operands = 0 : i64, tpu.core_type = #tpu.core_type<tc>, window_params = [{transform_indices = @transform_0, window_bounds = array<i64: 16384, 32>}, {transform_indices = @transform_1, window_bounds = array<i64: 1, 32, 128>}, {transform_indices = @transform_2, window_bounds = array<i64: 8, 128>}, {transform_indices = @transform_3, window_bounds = array<i64: 16384, 128>}]} {
    %get3A = arith.constant 0 : index
    %get3A_0 = arith.constant 0 : index
    %get3A_1 = vector.load %arg2[%get3A, %get3A_0] : memref<16384x32xf32, #tpu.memory_space<vmem>>, vector<16384x32xf32>
    %get3A_2 = arith.constant 0 : index
    %get3A_3 = arith.constant 0 : index
    %get3A_4 = arith.constant 0 : index
    %get3A_5 = vector.load %arg3[%get3A_2, %get3A_3, %get3A_4] : memref<1x32x128xf32, #tpu.memory_space<vmem>>, vector<1x32x128xf32>
    %get3A_6 = vector.shape_cast %get3A_5 : vector<1x32x128xf32> to vector<32x128xf32>
    %dot_general3A = arith.constant dense<0.000000e+00> : vector<16384x128xf32>
    %dot_general3A_7 = tpu.matmul %get3A_1, %get3A_6, %dot_general3A {dimension_numbers = #tpu.dot_dimension_numbers<[1], [0], [0], [1], [0, 0, 1, 1], [], []>, transpose_lhs_hint = false} : vector<16384x32xf32>, vector<32x128xf32>, vector<16384x128xf32> -> vector<16384x128xf32>
    %get3A_8 = arith.constant 0 : index
    %get3A_9 = arith.constant 0 : index
    %get3A_10 = vector.load %arg4[%get3A_8, %get3A_9] : memref<8x128xf32, #tpu.memory_space<vmem>>, vector<1x128xf32>
    %get3A_11 = vector.shape_cast %get3A_10 : vector<1x128xf32> to vector<128xf32>
    %broadcast_in_dim3A = vector.shape_cast %get3A_11 : vector<128xf32> to vector<1x128xf32>
    %add3A = vector.broadcast %broadcast_in_dim3A : vector<1x128xf32> to vector<16384x128xf32>
    %add3A_12 = arith.addf %dot_general3A_7, %add3A : vector<16384x128xf32>
    %swap3A = arith.constant 0 : index
    %swap3A_13 = arith.constant 0 : index
    %swap3A_14 = vector.load %arg5[%swap3A, %swap3A_13] : memref<16384x128xf32, #tpu.memory_space<vmem>>, vector<16384x128xf32>
    tpu.vector_store %arg5[%swap3A, %swap3A_13], %add3A_12 {strides = array<i32>} : memref<16384x128xf32, #tpu.memory_space<vmem>>, vector<16384x128xf32>,
    return
  }
  func.func @transform_0(%arg0: i32, %arg1: i32) -> (i32, i32) {
    %c0_i32 = arith.constant 0 : i32
    %c0_i32_0 = arith.constant 0 : i32
    return %arg1, %c0_i32 : i32, i32
  }
  func.func @transform_1(%arg0: i32, %arg1: i32) -> (i32, i32, i32) {
    %c0_i32 = arith.constant 0 : i32
    %c0_i32_0 = arith.constant 0 : i32
    %c0_i32_1 = arith.constant 0 : i32
    return %arg0, %c0_i32, %c0_i32_0 : i32, i32, i32
  }
  func.func @transform_2(%arg0: i32, %arg1: i32) -> (i32, i32) {
    %c0_i32 = arith.constant 0 : i32
    %c0_i32_0 = arith.constant 0 : i32
    return %arg0, %c0_i32 : i32, i32
  }
  func.func @transform_3(%arg0: i32, %arg1: i32) -> (i32, i32) {
    %mul3A = arith.constant 10 : i32
    %mul3A_0 = arith.muli %arg0, %mul3A : i32
    %add3A = arith.addi %mul3A_0, %arg1 : i32
    %c0_i32 = arith.constant 0 : i32
    %c0_i32_1 = arith.constant 0 : i32
    return %add3A, %c0_i32 : i32, i32
  }
}

module attributes {stable_mosaic.version = 14 : i64} {
  func.func @_mlp_body(%arg0: memref<10000x128xf32, #tpu.memory_space<vmem>>, %arg1: memref<2x10112x128xf32, #tpu.memory_space<vmem>>, %arg2: memref<128x256xf32, #tpu.memory_space<vmem>>, %arg3: memref<256xf32, #tpu.memory_space<vmem>>, %arg4: memref<256x256xf32, #tpu.memory_space<vmem>>, %arg5: memref<256xf32, #tpu.memory_space<vmem>>, %arg6: memref<256x256xf32, #tpu.memory_space<vmem>>, %arg7: memref<256xf32, #tpu.memory_space<vmem>>, %arg8: memref<256x256xf32, #tpu.memory_space<vmem>>, %arg9: memref<256xf32, #tpu.memory_space<vmem>>, %arg10: memref<256x128xf32, #tpu.memory_space<vmem>>, %arg11: memref<128xf32, #tpu.memory_space<vmem>>, %arg12: memref<256xf32, #tpu.memory_space<vmem>>, %arg13: memref<256xf32, #tpu.memory_space<vmem>>, %arg14: memref<256xf32, #tpu.memory_space<vmem>>, %arg15: memref<256xf32, #tpu.memory_space<vmem>>, %arg16: memref<256xf32, #tpu.memory_space<vmem>>, %arg17: memref<256xf32, #tpu.memory_space<vmem>>, %arg18: memref<256xf32, #tpu.memory_space<vmem>>, %arg19: memref<256xf32, #tpu.memory_space<vmem>>, %arg20: memref<128x128xf32, #tpu.memory_space<vmem>>, %arg21: memref<128xf32, #tpu.memory_space<vmem>>, %arg22: memref<10000x128xf32, #tpu.memory_space<vmem>>) attributes {dimension_semantics = [], scalar_prefetch = 0 : i64, scratch_operands = 0 : i64, tpu.core_type = #tpu.core_type<tc>} {
    %get3A = arith.constant 0 : index
    %get3A_0 = arith.constant 0 : index
    %get3A_1 = vector.load %arg0[%get3A, %get3A_0] : memref<10000x128xf32, #tpu.memory_space<vmem>>, vector<10000x128xf32>
    %get3A_2 = arith.constant 0 : index
    %get3A_3 = arith.constant 0 : index
    %get3A_4 = arith.constant 0 : index
    %get3A_5 = vector.load %arg1[%get3A_2, %get3A_3, %get3A_4] : memref<2x10112x128xf32, #tpu.memory_space<vmem>>, vector<1x10112x128xf32>
    %get3A_6 = vector.shape_cast %get3A_5 : vector<1x10112x128xf32> to vector<10112x128xf32>
    %slice3A = vector.extract_strided_slice %get3A_6 {offsets = [0, 0], sizes = [10000, 128], strides = [1, 1]} : vector<10112x128xf32> to vector<10000x128xf32>
    %get3A_7 = arith.constant 1 : index
    %get3A_8 = arith.constant 0 : index
    %get3A_9 = arith.constant 0 : index
    %get3A_10 = vector.load %arg1[%get3A_7, %get3A_8, %get3A_9] : memref<2x10112x128xf32, #tpu.memory_space<vmem>>, vector<1x10112x128xf32>
    %get3A_11 = vector.shape_cast %get3A_10 : vector<1x10112x128xf32> to vector<10112x128xf32>
    %slice3A_12 = vector.extract_strided_slice %get3A_11 {offsets = [0, 0], sizes = [10000, 128], strides = [1, 1]} : vector<10112x128xf32> to vector<10000x128xf32>
    %slice3A_13 = vector.extract_strided_slice %slice3A {offsets = [0, 0], sizes = [10000, 64], strides = [1, 1]} : vector<10000x128xf32> to vector<10000x64xf32>
    %slice3A_14 = vector.extract_strided_slice %slice3A_12 {offsets = [0, 0], sizes = [10000, 64], strides = [1, 1]} : vector<10000x128xf32> to vector<10000x64xf32>
    %concatenate3A = tpu.concatenate %slice3A_13, %slice3A_14 in 1 : vector<10000x64xf32>, vector<10000x64xf32> -> vector<10000x128xf32>
    %slice3A_15 = vector.extract_strided_slice %slice3A {offsets = [0, 64], sizes = [10000, 64], strides = [1, 1]} : vector<10000x128xf32> to vector<10000x64xf32>
    %slice3A_16 = vector.extract_strided_slice %slice3A_12 {offsets = [0, 64], sizes = [10000, 64], strides = [1, 1]} : vector<10000x128xf32> to vector<10000x64xf32>
    %concatenate3A_17 = tpu.concatenate %slice3A_15, %slice3A_16 in 1 : vector<10000x64xf32>, vector<10000x64xf32> -> vector<10000x128xf32>
    %add3A = arith.constant 1.000000e-16 : f32
    %add3A_18 = vector.broadcast %add3A : f32 to vector<10000x128xf32>
    %add3A_19 = arith.addf %concatenate3A_17, %add3A_18 : vector<10000x128xf32>
    %div3A = arith.divf %concatenate3A, %add3A_19 : vector<10000x128xf32>
    %add3A_20 = arith.addf %div3A, %get3A_1 : vector<10000x128xf32>
    %get3A_21 = arith.constant 0 : index
    %get3A_22 = arith.constant 0 : index
    %get3A_23 = vector.load %arg2[%get3A_21, %get3A_22] : memref<128x256xf32, #tpu.memory_space<vmem>>, vector<128x256xf32>
    %dot_general3A = arith.constant dense<0.000000e+00> : vector<10000x256xf32>
    %dot_general3A_24 = tpu.matmul %add3A_20, %get3A_23, %dot_general3A {dimension_numbers = #tpu.dot_dimension_numbers<[1], [0], [0], [1], [0, 0, 1, 1], [], []>, transpose_lhs_hint = false} : vector<10000x128xf32>, vector<128x256xf32>, vector<10000x256xf32> -> vector<10000x256xf32>
    %get3A_25 = arith.constant 0 : index
    %get3A_26 = vector.load %arg3[%get3A_25] : memref<256xf32, #tpu.memory_space<vmem>>, vector<256xf32>
    %broadcast_in_dim3A = vector.shape_cast %get3A_26 : vector<256xf32> to vector<1x256xf32>
    %add3A_27 = vector.broadcast %broadcast_in_dim3A : vector<1x256xf32> to vector<10000x256xf32>
    %add3A_28 = arith.addf %dot_general3A_24, %add3A_27 : vector<10000x256xf32>
    %reduce_sum3A = arith.constant dense<0.000000e+00> : vector<256xf32>
    %reduce_sum3A_29 = vector.multi_reduction <add>, %add3A_28, %reduce_sum3A [0] : vector<10000x256xf32> to vector<256xf32>
    %broadcast_in_dim3A_30 = vector.shape_cast %reduce_sum3A_29 : vector<256xf32> to vector<1x256xf32>
    %div3A_31 = arith.constant 1.000000e+04 : f32
    %div3A_32 = vector.broadcast %div3A_31 : f32 to vector<1x256xf32>
    %div3A_33 = arith.divf %broadcast_in_dim3A_30, %div3A_32 : vector<1x256xf32>
    %sub3A = vector.broadcast %div3A_33 : vector<1x256xf32> to vector<10000x256xf32>
    %sub3A_34 = arith.subf %add3A_28, %sub3A : vector<10000x256xf32>
    %integer_pow3A = arith.mulf %sub3A_34, %sub3A_34 : vector<10000x256xf32>
    %reduce_sum3A_35 = arith.constant dense<0.000000e+00> : vector<256xf32>
    %reduce_sum3A_36 = vector.multi_reduction <add>, %integer_pow3A, %reduce_sum3A_35 [0] : vector<10000x256xf32> to vector<256xf32>
    %broadcast_in_dim3A_37 = vector.shape_cast %reduce_sum3A_36 : vector<256xf32> to vector<1x256xf32>
    %div3A_38 = arith.constant 1.000000e+04 : f32
    %div3A_39 = vector.broadcast %div3A_38 : f32 to vector<1x256xf32>
    %div3A_40 = arith.divf %broadcast_in_dim3A_37, %div3A_39 : vector<1x256xf32>
    %sub3A_41 = vector.broadcast %div3A_33 : vector<1x256xf32> to vector<10000x256xf32>
    %sub3A_42 = arith.subf %add3A_28, %sub3A_41 : vector<10000x256xf32>
    %add3A_43 = arith.constant 9.99999974E-6 : f32
    %add3A_44 = vector.broadcast %add3A_43 : f32 to vector<1x256xf32>
    %add3A_45 = arith.addf %div3A_40, %add3A_44 : vector<1x256xf32>
    %sqrt3A = math.sqrt %add3A_45 : vector<1x256xf32>
    %div3A_46 = vector.broadcast %sqrt3A : vector<1x256xf32> to vector<10000x256xf32>
    %div3A_47 = arith.divf %sub3A_42, %div3A_46 : vector<10000x256xf32>
    %get3A_48 = arith.constant 0 : index
    %get3A_49 = vector.load %arg12[%get3A_48] : memref<256xf32, #tpu.memory_space<vmem>>, vector<256xf32>
    %broadcast_in_dim3A_50 = vector.shape_cast %get3A_49 : vector<256xf32> to vector<1x256xf32>
    %mul3A = vector.broadcast %broadcast_in_dim3A_50 : vector<1x256xf32> to vector<10000x256xf32>
    %mul3A_51 = arith.mulf %div3A_47, %mul3A : vector<10000x256xf32>
    %get3A_52 = arith.constant 0 : index
    %get3A_53 = vector.load %arg13[%get3A_52] : memref<256xf32, #tpu.memory_space<vmem>>, vector<256xf32>
    %broadcast_in_dim3A_54 = vector.shape_cast %get3A_53 : vector<256xf32> to vector<1x256xf32>
    %add3A_55 = vector.broadcast %broadcast_in_dim3A_54 : vector<1x256xf32> to vector<10000x256xf32>
    %add3A_56 = arith.addf %mul3A_51, %add3A_55 : vector<10000x256xf32>
    %max3A = arith.constant 0.000000e+00 : f32
    %max3A_57 = vector.broadcast %max3A : f32 to vector<10000x256xf32>
    %max3A_58 = arith.maximumf %add3A_56, %max3A_57 : vector<10000x256xf32>
    %get3A_59 = arith.constant 0 : index
    %get3A_60 = arith.constant 0 : index
    %get3A_61 = vector.load %arg4[%get3A_59, %get3A_60] : memref<256x256xf32, #tpu.memory_space<vmem>>, vector<256x256xf32>
    %dot_general3A_62 = arith.constant dense<0.000000e+00> : vector<10000x256xf32>
    %dot_general3A_63 = tpu.matmul %max3A_58, %get3A_61, %dot_general3A_62 {dimension_numbers = #tpu.dot_dimension_numbers<[1], [0], [0], [1], [0, 0, 1, 1], [], []>, transpose_lhs_hint = false} : vector<10000x256xf32>, vector<256x256xf32>, vector<10000x256xf32> -> vector<10000x256xf32>
    %get3A_64 = arith.constant 0 : index
    %get3A_65 = vector.load %arg5[%get3A_64] : memref<256xf32, #tpu.memory_space<vmem>>, vector<256xf32>
    %broadcast_in_dim3A_66 = vector.shape_cast %get3A_65 : vector<256xf32> to vector<1x256xf32>
    %add3A_67 = vector.broadcast %broadcast_in_dim3A_66 : vector<1x256xf32> to vector<10000x256xf32>
    %add3A_68 = arith.addf %dot_general3A_63, %add3A_67 : vector<10000x256xf32>
    %reduce_sum3A_69 = arith.constant dense<0.000000e+00> : vector<256xf32>
    %reduce_sum3A_70 = vector.multi_reduction <add>, %add3A_68, %reduce_sum3A_69 [0] : vector<10000x256xf32> to vector<256xf32>
    %broadcast_in_dim3A_71 = vector.shape_cast %reduce_sum3A_70 : vector<256xf32> to vector<1x256xf32>
    %div3A_72 = arith.constant 1.000000e+04 : f32
    %div3A_73 = vector.broadcast %div3A_72 : f32 to vector<1x256xf32>
    %div3A_74 = arith.divf %broadcast_in_dim3A_71, %div3A_73 : vector<1x256xf32>
    %sub3A_75 = vector.broadcast %div3A_74 : vector<1x256xf32> to vector<10000x256xf32>
    %sub3A_76 = arith.subf %add3A_68, %sub3A_75 : vector<10000x256xf32>
    %integer_pow3A_77 = arith.mulf %sub3A_76, %sub3A_76 : vector<10000x256xf32>
    %reduce_sum3A_78 = arith.constant dense<0.000000e+00> : vector<256xf32>
    %reduce_sum3A_79 = vector.multi_reduction <add>, %integer_pow3A_77, %reduce_sum3A_78 [0] : vector<10000x256xf32> to vector<256xf32>
    %broadcast_in_dim3A_80 = vector.shape_cast %reduce_sum3A_79 : vector<256xf32> to vector<1x256xf32>
    %div3A_81 = arith.constant 1.000000e+04 : f32
    %div3A_82 = vector.broadcast %div3A_81 : f32 to vector<1x256xf32>
    %div3A_83 = arith.divf %broadcast_in_dim3A_80, %div3A_82 : vector<1x256xf32>
    %sub3A_84 = vector.broadcast %div3A_74 : vector<1x256xf32> to vector<10000x256xf32>
    %sub3A_85 = arith.subf %add3A_68, %sub3A_84 : vector<10000x256xf32>
    %add3A_86 = arith.constant 9.99999974E-6 : f32
    %add3A_87 = vector.broadcast %add3A_86 : f32 to vector<1x256xf32>
    %add3A_88 = arith.addf %div3A_83, %add3A_87 : vector<1x256xf32>
    %sqrt3A_89 = math.sqrt %add3A_88 : vector<1x256xf32>
    %div3A_90 = vector.broadcast %sqrt3A_89 : vector<1x256xf32> to vector<10000x256xf32>
    %div3A_91 = arith.divf %sub3A_85, %div3A_90 : vector<10000x256xf32>
    %get3A_92 = arith.constant 0 : index
    %get3A_93 = vector.load %arg14[%get3A_92] : memref<256xf32, #tpu.memory_space<vmem>>, vector<256xf32>
    %broadcast_in_dim3A_94 = vector.shape_cast %get3A_93 : vector<256xf32> to vector<1x256xf32>
    %mul3A_95 = vector.broadcast %broadcast_in_dim3A_94 : vector<1x256xf32> to vector<10000x256xf32>
    %mul3A_96 = arith.mulf %div3A_91, %mul3A_95 : vector<10000x256xf32>
    %get3A_97 = arith.constant 0 : index
    %get3A_98 = vector.load %arg15[%get3A_97] : memref<256xf32, #tpu.memory_space<vmem>>, vector<256xf32>
    %broadcast_in_dim3A_99 = vector.shape_cast %get3A_98 : vector<256xf32> to vector<1x256xf32>
    %add3A_100 = vector.broadcast %broadcast_in_dim3A_99 : vector<1x256xf32> to vector<10000x256xf32>
    %add3A_101 = arith.addf %mul3A_96, %add3A_100 : vector<10000x256xf32>
    %max3A_102 = arith.constant 0.000000e+00 : f32
    %max3A_103 = vector.broadcast %max3A_102 : f32 to vector<10000x256xf32>
    %max3A_104 = arith.maximumf %add3A_101, %max3A_103 : vector<10000x256xf32>
    %get3A_105 = arith.constant 0 : index
    %get3A_106 = arith.constant 0 : index
    %get3A_107 = vector.load %arg6[%get3A_105, %get3A_106] : memref<256x256xf32, #tpu.memory_space<vmem>>, vector<256x256xf32>
    %dot_general3A_108 = arith.constant dense<0.000000e+00> : vector<10000x256xf32>
    %dot_general3A_109 = tpu.matmul %max3A_104, %get3A_107, %dot_general3A_108 {dimension_numbers = #tpu.dot_dimension_numbers<[1], [0], [0], [1], [0, 0, 1, 1], [], []>, transpose_lhs_hint = false} : vector<10000x256xf32>, vector<256x256xf32>, vector<10000x256xf32> -> vector<10000x256xf32>
    %get3A_110 = arith.constant 0 : index
    %get3A_111 = vector.load %arg7[%get3A_110] : memref<256xf32, #tpu.memory_space<vmem>>, vector<256xf32>
    %broadcast_in_dim3A_112 = vector.shape_cast %get3A_111 : vector<256xf32> to vector<1x256xf32>
    %add3A_113 = vector.broadcast %broadcast_in_dim3A_112 : vector<1x256xf32> to vector<10000x256xf32>
    %add3A_114 = arith.addf %dot_general3A_109, %add3A_113 : vector<10000x256xf32>
    %reduce_sum3A_115 = arith.constant dense<0.000000e+00> : vector<256xf32>
    %reduce_sum3A_116 = vector.multi_reduction <add>, %add3A_114, %reduce_sum3A_115 [0] : vector<10000x256xf32> to vector<256xf32>
    %broadcast_in_dim3A_117 = vector.shape_cast %reduce_sum3A_116 : vector<256xf32> to vector<1x256xf32>
    %div3A_118 = arith.constant 1.000000e+04 : f32
    %div3A_119 = vector.broadcast %div3A_118 : f32 to vector<1x256xf32>
    %div3A_120 = arith.divf %broadcast_in_dim3A_117, %div3A_119 : vector<1x256xf32>
    %sub3A_121 = vector.broadcast %div3A_120 : vector<1x256xf32> to vector<10000x256xf32>
    %sub3A_122 = arith.subf %add3A_114, %sub3A_121 : vector<10000x256xf32>
    %integer_pow3A_123 = arith.mulf %sub3A_122, %sub3A_122 : vector<10000x256xf32>
    %reduce_sum3A_124 = arith.constant dense<0.000000e+00> : vector<256xf32>
    %reduce_sum3A_125 = vector.multi_reduction <add>, %integer_pow3A_123, %reduce_sum3A_124 [0] : vector<10000x256xf32> to vector<256xf32>
    %broadcast_in_dim3A_126 = vector.shape_cast %reduce_sum3A_125 : vector<256xf32> to vector<1x256xf32>
    %div3A_127 = arith.constant 1.000000e+04 : f32
    %div3A_128 = vector.broadcast %div3A_127 : f32 to vector<1x256xf32>
    %div3A_129 = arith.divf %broadcast_in_dim3A_126, %div3A_128 : vector<1x256xf32>
    %sub3A_130 = vector.broadcast %div3A_120 : vector<1x256xf32> to vector<10000x256xf32>
    %sub3A_131 = arith.subf %add3A_114, %sub3A_130 : vector<10000x256xf32>
    %add3A_132 = arith.constant 9.99999974E-6 : f32
    %add3A_133 = vector.broadcast %add3A_132 : f32 to vector<1x256xf32>
    %add3A_134 = arith.addf %div3A_129, %add3A_133 : vector<1x256xf32>
    %sqrt3A_135 = math.sqrt %add3A_134 : vector<1x256xf32>
    %div3A_136 = vector.broadcast %sqrt3A_135 : vector<1x256xf32> to vector<10000x256xf32>
    %div3A_137 = arith.divf %sub3A_131, %div3A_136 : vector<10000x256xf32>
    %get3A_138 = arith.constant 0 : index
    %get3A_139 = vector.load %arg16[%get3A_138] : memref<256xf32, #tpu.memory_space<vmem>>, vector<256xf32>
    %broadcast_in_dim3A_140 = vector.shape_cast %get3A_139 : vector<256xf32> to vector<1x256xf32>
    %mul3A_141 = vector.broadcast %broadcast_in_dim3A_140 : vector<1x256xf32> to vector<10000x256xf32>
    %mul3A_142 = arith.mulf %div3A_137, %mul3A_141 : vector<10000x256xf32>
    %get3A_143 = arith.constant 0 : index
    %get3A_144 = vector.load %arg17[%get3A_143] : memref<256xf32, #tpu.memory_space<vmem>>, vector<256xf32>
    %broadcast_in_dim3A_145 = vector.shape_cast %get3A_144 : vector<256xf32> to vector<1x256xf32>
    %add3A_146 = vector.broadcast %broadcast_in_dim3A_145 : vector<1x256xf32> to vector<10000x256xf32>
    %add3A_147 = arith.addf %mul3A_142, %add3A_146 : vector<10000x256xf32>
    %max3A_148 = arith.constant 0.000000e+00 : f32
    %max3A_149 = vector.broadcast %max3A_148 : f32 to vector<10000x256xf32>
    %max3A_150 = arith.maximumf %add3A_147, %max3A_149 : vector<10000x256xf32>
    %get3A_151 = arith.constant 0 : index
    %get3A_152 = arith.constant 0 : index
    %get3A_153 = vector.load %arg8[%get3A_151, %get3A_152] : memref<256x256xf32, #tpu.memory_space<vmem>>, vector<256x256xf32>
    %dot_general3A_154 = arith.constant dense<0.000000e+00> : vector<10000x256xf32>
    %dot_general3A_155 = tpu.matmul %max3A_150, %get3A_153, %dot_general3A_154 {dimension_numbers = #tpu.dot_dimension_numbers<[1], [0], [0], [1], [0, 0, 1, 1], [], []>, transpose_lhs_hint = false} : vector<10000x256xf32>, vector<256x256xf32>, vector<10000x256xf32> -> vector<10000x256xf32>
    %get3A_156 = arith.constant 0 : index
    %get3A_157 = vector.load %arg9[%get3A_156] : memref<256xf32, #tpu.memory_space<vmem>>, vector<256xf32>
    %broadcast_in_dim3A_158 = vector.shape_cast %get3A_157 : vector<256xf32> to vector<1x256xf32>
    %add3A_159 = vector.broadcast %broadcast_in_dim3A_158 : vector<1x256xf32> to vector<10000x256xf32>
    %add3A_160 = arith.addf %dot_general3A_155, %add3A_159 : vector<10000x256xf32>
    %reduce_sum3A_161 = arith.constant dense<0.000000e+00> : vector<256xf32>
    %reduce_sum3A_162 = vector.multi_reduction <add>, %add3A_160, %reduce_sum3A_161 [0] : vector<10000x256xf32> to vector<256xf32>
    %broadcast_in_dim3A_163 = vector.shape_cast %reduce_sum3A_162 : vector<256xf32> to vector<1x256xf32>
    %div3A_164 = arith.constant 1.000000e+04 : f32
    %div3A_165 = vector.broadcast %div3A_164 : f32 to vector<1x256xf32>
    %div3A_166 = arith.divf %broadcast_in_dim3A_163, %div3A_165 : vector<1x256xf32>
    %sub3A_167 = vector.broadcast %div3A_166 : vector<1x256xf32> to vector<10000x256xf32>
    %sub3A_168 = arith.subf %add3A_160, %sub3A_167 : vector<10000x256xf32>
    %integer_pow3A_169 = arith.mulf %sub3A_168, %sub3A_168 : vector<10000x256xf32>
    %reduce_sum3A_170 = arith.constant dense<0.000000e+00> : vector<256xf32>
    %reduce_sum3A_171 = vector.multi_reduction <add>, %integer_pow3A_169, %reduce_sum3A_170 [0] : vector<10000x256xf32> to vector<256xf32>
    %broadcast_in_dim3A_172 = vector.shape_cast %reduce_sum3A_171 : vector<256xf32> to vector<1x256xf32>
    %div3A_173 = arith.constant 1.000000e+04 : f32
    %div3A_174 = vector.broadcast %div3A_173 : f32 to vector<1x256xf32>
    %div3A_175 = arith.divf %broadcast_in_dim3A_172, %div3A_174 : vector<1x256xf32>
    %sub3A_176 = vector.broadcast %div3A_166 : vector<1x256xf32> to vector<10000x256xf32>
    %sub3A_177 = arith.subf %add3A_160, %sub3A_176 : vector<10000x256xf32>
    %add3A_178 = arith.constant 9.99999974E-6 : f32
    %add3A_179 = vector.broadcast %add3A_178 : f32 to vector<1x256xf32>
    %add3A_180 = arith.addf %div3A_175, %add3A_179 : vector<1x256xf32>
    %sqrt3A_181 = math.sqrt %add3A_180 : vector<1x256xf32>
    %div3A_182 = vector.broadcast %sqrt3A_181 : vector<1x256xf32> to vector<10000x256xf32>
    %div3A_183 = arith.divf %sub3A_177, %div3A_182 : vector<10000x256xf32>
    %get3A_184 = arith.constant 0 : index
    %get3A_185 = vector.load %arg18[%get3A_184] : memref<256xf32, #tpu.memory_space<vmem>>, vector<256xf32>
    %broadcast_in_dim3A_186 = vector.shape_cast %get3A_185 : vector<256xf32> to vector<1x256xf32>
    %mul3A_187 = vector.broadcast %broadcast_in_dim3A_186 : vector<1x256xf32> to vector<10000x256xf32>
    %mul3A_188 = arith.mulf %div3A_183, %mul3A_187 : vector<10000x256xf32>
    %get3A_189 = arith.constant 0 : index
    %get3A_190 = vector.load %arg19[%get3A_189] : memref<256xf32, #tpu.memory_space<vmem>>, vector<256xf32>
    %broadcast_in_dim3A_191 = vector.shape_cast %get3A_190 : vector<256xf32> to vector<1x256xf32>
    %add3A_192 = vector.broadcast %broadcast_in_dim3A_191 : vector<1x256xf32> to vector<10000x256xf32>
    %add3A_193 = arith.addf %mul3A_188, %add3A_192 : vector<10000x256xf32>
    %max3A_194 = arith.constant 0.000000e+00 : f32
    %max3A_195 = vector.broadcast %max3A_194 : f32 to vector<10000x256xf32>
    %max3A_196 = arith.maximumf %add3A_193, %max3A_195 : vector<10000x256xf32>
    %get3A_197 = arith.constant 0 : index
    %get3A_198 = arith.constant 0 : index
    %get3A_199 = vector.load %arg10[%get3A_197, %get3A_198] : memref<256x128xf32, #tpu.memory_space<vmem>>, vector<256x128xf32>
    %dot_general3A_200 = arith.constant dense<0.000000e+00> : vector<10000x128xf32>
    %dot_general3A_201 = tpu.matmul %max3A_196, %get3A_199, %dot_general3A_200 {dimension_numbers = #tpu.dot_dimension_numbers<[1], [0], [0], [1], [0, 0, 1, 1], [], []>, transpose_lhs_hint = false} : vector<10000x256xf32>, vector<256x128xf32>, vector<10000x128xf32> -> vector<10000x128xf32>
    %get3A_202 = arith.constant 0 : index
    %get3A_203 = vector.load %arg11[%get3A_202] : memref<128xf32, #tpu.memory_space<vmem>>, vector<128xf32>
    %broadcast_in_dim3A_204 = vector.shape_cast %get3A_203 : vector<128xf32> to vector<1x128xf32>
    %add3A_205 = vector.broadcast %broadcast_in_dim3A_204 : vector<1x128xf32> to vector<10000x128xf32>
    %add3A_206 = arith.addf %dot_general3A_201, %add3A_205 : vector<10000x128xf32>
    %max3A_207 = arith.constant 0.000000e+00 : f32
    %max3A_208 = vector.broadcast %max3A_207 : f32 to vector<10000x128xf32>
    %max3A_209 = arith.maximumf %add3A_206, %max3A_208 : vector<10000x128xf32>
    %get3A_210 = arith.constant 0 : index
    %get3A_211 = arith.constant 0 : index
    %get3A_212 = vector.load %arg20[%get3A_210, %get3A_211] : memref<128x128xf32, #tpu.memory_space<vmem>>, vector<128x128xf32>
    %dot_general3A_213 = arith.constant dense<0.000000e+00> : vector<10000x128xf32>
    %dot_general3A_214 = tpu.matmul %max3A_209, %get3A_212, %dot_general3A_213 {dimension_numbers = #tpu.dot_dimension_numbers<[1], [0], [0], [1], [0, 0, 1, 1], [], []>, transpose_lhs_hint = false} : vector<10000x128xf32>, vector<128x128xf32>, vector<10000x128xf32> -> vector<10000x128xf32>
    %get3A_215 = arith.constant 0 : index
    %get3A_216 = vector.load %arg21[%get3A_215] : memref<128xf32, #tpu.memory_space<vmem>>, vector<128xf32>
    %broadcast_in_dim3A_217 = vector.shape_cast %get3A_216 : vector<128xf32> to vector<1x128xf32>
    %add3A_218 = vector.broadcast %broadcast_in_dim3A_217 : vector<1x128xf32> to vector<10000x128xf32>
    %add3A_219 = arith.addf %dot_general3A_214, %add3A_218 : vector<10000x128xf32>
    %swap3A = arith.constant 0 : index
    %swap3A_220 = arith.constant 0 : index
    %swap3A_221 = vector.load %arg22[%swap3A, %swap3A_220] : memref<10000x128xf32, #tpu.memory_space<vmem>>, vector<10000x128xf32>
    tpu.vector_store %arg22[%swap3A, %swap3A_220], %add3A_219 {strides = array<i32>} : memref<10000x128xf32, #tpu.memory_space<vmem>>, vector<10000x128xf32>,
    return
  }
}

</mosaic_0001>

<sc_bundles>
// kernel: kernel.6.cloned.1.call-start
scs
__scs_entry_jumppad:
0x0: {  	(pc) =	sbr.rel $0x88, $3  }
0x1: {  	(tag) =	ssettag $0x0;
	lr =	simm.s32 $0x1  }
0x2: {  	[smem:$0x3F84] =	sst lr;
	_ =	strace $0xD0000000  }
0x3: {  	_ = 	snop  }
0x4: {  	_ = 	snop  }
0x5: {  	_ = 	snop  }
0x6: {  	_ = 	snop  }
0x7: {  	_ = 	snop  }
__scs_overlays_trampoline_lowered:
0x8: {  	[smem:$0x3F93] =	sst s0  }
0x9: {  	[smem:$0x3F94] =	sst s1  }
0xa: {  	[smem:$0x3F95] =	sst s2  }
0xb: {  	[smem:$0x3F96] =	sst s3  }
0xc: {  	[smem:$0x3F97] =	sst s4  }
0xd: {  	[smem:$0x3F98] =	sst s5  }
0xe: {  	[smem:$0x3F99] =	sst s6  }
0xf: {  	[smem:$0x3F9A] =	sst s7  }
0x10: {  	[smem:$0x3F9B] =	sst s8  }
0x11: {  	[smem:$0x3F9C] =	sst s9;
	s0 =	simm.s32 @!p0 $0x0  }
0x12: {  	s1 =	sld [smem:$0x3F82];
	s0 =	simm.s32 @p0 $0x1  }
0x13: {  	[smem:$0x3F9D] =	sst s0;
	s0 =	simm.s32 @!p1 $0x0  }
0x14: {  	s2 =	sld [smem:$0x3F81];
	s0 =	simm.s32 @p1 $0x1  }
0x15: {  	[smem:$0x3F9E] =	sst s0;
	s0 =	simm.s32 @!p2 $0x0  }
0x16: {  	s3 =	sld [smem:$0x3FDB];
	s0 =	simm.s32 @p2 $0x1  }
0x17: {  	s4 =	simm.s32 $0x1BF5;
	[smem:$0x3FA0] =	sst s0  }
0x18: {  	s0 =	sld [smem:$0x3F83];
	_ =	swait.ge [sflag:s4], $0x0  }
0x19: {  	s7 =	sld [smem:$0x3F84]  }
0x1a: {  	s8 =	sadd.s32 $0xFFFFE003, lr  }
0x1b: {  	s9 =	sadd.s32 $0xFFFFFEF7, lr;
	s5 =	simm.s32 $0xFFFFFFFF;
	p2 =	slt.u32 s8, $0xFFFFF086  }
0x1c: {  	p1 =	slt.u32 s9, $0xF7A;
	s5 =	simm.s32 @!p2 $0x0  }
0x1d: {  	s5 =	simm.s32 @p1 $0x1;
	p0 =	seq.s32 s7, s2  }
0x1e: {  	s7 =	smul.u32 @!p0 $0xF7A, s2;
	p2 =	seq.s32 @!p0 s5, $0x0  }
0x1f: {  	s9 =	smul.u32 $0xF7A, s1;
	s8 =	simm.s32 @!p0 $0x1BF5;
	p2 =	por !p2, p0  }
0x20: {  	[sflag:s8] =	ssyncset.s32 @!p0 $0xFFFFF086;
	s6 =	sadd.s32 @!p0 s3, s7;
	s7 =	simm.s32 @!p0 $0x108  }
0x21: {  	s3 =	sadd.s32 s3, s9;
	s6 =	sadd.s32 @!p0 $0x88, s6;
	s7 =	simm.s32 @p2 $0x1082  }
0x22: {  	[simem:s7], [sflag:s8] =	dma.local @!p0 [hbm:s6], $0xF7A  }
0x23: {  	s9 =	sor.u32 $0xD0000000, s2;
	s6 =	simm.s32 $0x108;
	_ =	swait.ge @!p0 [sflag:s8], $0x0  }
0x24: {  	s3 =	sadd.s32 $0x88, s3;
	s6 =	simm.s32 @!p1 $0x1082;
	[sflag:s4] =	ssyncset.s32 $0xFFFFF086  }
0x25: {  	[simem:s6], [sflag:s4] =	dma.local [hbm:s3], $0xF7A  }
0x26: {  	[smem:$0x3F84] =	sst s1;
	(tag) =	ssettag s2;
	_ =	strace s9  }
0x27: {  	s1 =	sld [smem:$0x3F94]  }
0x28: {  	s2 =	sld [smem:$0x3F95]  }
0x29: {  	s4 =	sld [smem:$0x3F97]  }
0x2a: {  	p0 =	seq.s32 s5, $0x0;
	s5 =	sld [smem:$0x3F98]  }
0x2b: {  	s6 =	sld [smem:$0x3F99]  }
0x2c: {  	s7 =	sld [smem:$0x3F9A]  }
0x2d: {  	s3 =	simm.s32 $0x108;
	s8 =	sld [smem:$0x3F9B]  }
0x2e: {  	s3 =	simm.s32 @!p0 $0x1082;
	s9 =	sld [smem:$0x3F9C]  }
0x2f: {  	lr =	sadd.s32 s0, s3;
	s0 =	sld [smem:$0x3F93]  }
0x30: {  	s3 =	sld [smem:$0x3F96]  }
0x31: {  	[smem:$0x3F9F] =	sst s10  }
0x32: {  	s10 =	sld [smem:$0x3F9D];
	_ =	sdelay $0x3  }
0x33: {  	p0 =	seq.s32 s10, $0x1;
	s10 =	sld [smem:$0x3F9F];
	_ =	sdelay $0x3  }
0x34: {  	[smem:$0x3F9F] =	sst s10  }
0x35: {  	s10 =	sld [smem:$0x3F9E];
	_ =	sdelay $0x3  }
0x36: {  	p1 =	seq.s32 s10, $0x1;
	s10 =	sld [smem:$0x3F9F];
	_ =	sdelay $0x3  }
0x37: {  	[smem:$0x3F9F] =	sst s10  }
0x38: {  	s10 =	sld [smem:$0x3FA0]  }
0x39: {  	_ = 	snop;
	(pc) =	sbr.ind lr, $3  }
0x3a: {  	_ = 	snop  }
0x3b: {  	_ = 	snop  }
0x3c: {  	p2 =	seq.s32 s10, $0x1;
	s10 =	sld [smem:$0x3F9F]  }
0x3d: {  	_ =	shalt  }
0x3e: {  	_ =	shalt  }
0x3f: {  	_ =	shalt  }
0x40: {  	_ =	shalt  }
0x41: {  	_ =	shalt  }
0x42: {  	_ =	shalt  }
0x43: {  	_ =	shalt  }
0x44: {  	_ =	shalt  }
0x45: {  	_ =	shalt  }
0x46: {  	_ =	shalt  }
0x47: {  	_ =	shalt  }
0x48: {  	_ =	shalt  }
0x49: {  	_ =	shalt  }
0x4a: {  	_ =	shalt  }
0x4b: {  	_ =	shalt  }
0x4c: {  	_ =	shalt  }
0x4d: {  	_ =	shalt  }
0x4e: {  	_ =	shalt  }
0x4f: {  	_ =	shalt  }
0x50: {  	_ =	shalt  }
0x51: {  	_ =	shalt  }
0x52: {  	_ =	shalt  }
0x53: {  	_ =	shalt  }
0x54: {  	_ =	shalt  }
0x55: {  	_ =	shalt  }
0x56: {  	_ =	shalt  }
0x57: {  	_ =	shalt  }
0x58: {  	_ =	shalt  }
0x59: {  	_ =	shalt  }
0x5a: {  	_ =	shalt  }
0x5b: {  	_ =	shalt  }
0x5c: {  	_ =	shalt  }
0x5d: {  	_ =	shalt  }
0x5e: {  	_ =	shalt  }
0x5f: {  	_ =	shalt  }
0x60: {  	_ =	shalt  }
0x61: {  	_ =	shalt  }
0x62: {  	_ =	shalt  }
0x63: {  	_ =	shalt  }
0x64: {  	_ =	shalt  }
0x65: {  	_ =	shalt  }
0x66: {  	_ =	shalt  }
0x67: {  	_ =	shalt  }
0x68: {  	_ =	shalt  }
0x69: {  	_ =	shalt  }
0x6a: {  	_ =	shalt  }
0x6b: {  	_ =	shalt  }
0x6c: {  	_ =	shalt  }
0x6d: {  	_ =	shalt  }
0x6e: {  	_ =	shalt  }
0x6f: {  	_ =	shalt  }
0x70: {  	_ =	shalt  }
0x71: {  	_ =	shalt  }
0x72: {  	_ =	shalt  }
0x73: {  	_ =	shalt  }
0x74: {  	_ =	shalt  }
0x75: {  	_ =	shalt  }
0x76: {  	_ =	shalt  }
0x77: {  	_ =	shalt  }
0x78: {  	_ =	shalt  }
0x79: {  	_ =	shalt  }
0x7a: {  	_ =	shalt  }
0x7b: {  	_ =	shalt  }
0x7c: {  	_ =	shalt  }
0x7d: {  	_ =	shalt  }
0x7e: {  	_ =	shalt  }
0x7f: {  	_ =	shalt  }
0x80: {  	_ =	shalt  }
0x81: {  	_ =	shalt  }
0x82: {  	_ =	shalt  }
0x83: {  	_ =	shalt  }
0x84: {  	_ =	shalt  }
0x85: {  	_ =	shalt  }
0x86: {  	_ =	shalt  }
0x87: {  	_ =	shalt  }
.Lfunc_end0:
.L_simem_size_0:
called_computation_lowered:
.L_overlay_start_0:
0x88: {  	s2 =	sld [smem:$0x3FD9]  }
0x89: {  	s3 =	sld [smem:$0x3FFE];
	_ =	sdelay $0x1  }
0x8a: {  	s1 =	srdreg.scid  }
0x8b: {  	s0 =	sand.u32 $0x1, s1  }
0x8c: {  	s16 =	sshll.u32 s0, $0xA;
	s2 =	sadd.s32 s3, s2  }
0x8d: {  	s2 =	sadd.s32 s2, s16  }
0x8e: {  	[smem:$0x3FAB] =	sst s2  }
0x8f: {  	_ = 	snop  }
0x90: {  	(tm) =	ssettm $0x1  }
0x91: {  	s17 =	sld [smem:$0x3FFB];
	_ =	sdelay $0x3  }
0x92: {  	_ =	strace s17  }
0x93: {  	s2 =	sld [smem:$0x3FFC];
	_ =	sdelay $0x3  }
0x94: {  	_ =	strace s2  }
0x95: {  	s2 =	sld [smem:$0x3FFD];
	_ =	sdelay $0x3  }
0x96: {  	_ =	strace s2  }
0x97: {  	_ =	strace $0x8FFFFFFF  }
0x98: {  	s18 =	sld [smem:$0x3FDB];
	_ =	sdelay $0x1  }
0x99: {  	s19 =	simm.s32 $_scs_section_size  }
0x9a: {  	s4 =	simm.s32 $_size__tile_overlayer_lowered;
	s5 =	simm.s32 $_tile_overlayer_lowered  }
0x9b: {  	s22 =	simm.s32 $0x1BFF;
	s21 =	sshll.u32 s5, $0x1;
	s2 =	sadd.s32 s19, s18  }
0x9c: {  	s6 =	simm.s32 $0x0;
	s20 =	sshll.u32 s4, $0x1;
	s4 =	sadd.s32 s21, s2  }
0x9d: {  	[timem:s6], [sflag:s22] =	dma.local [hbm:s4], s20  }
0x9e: {  	_ =	swait.ge [sflag:s22], s20  }
0x9f: {  	s3 =	ssub.s32 $0x0, s20;
	[sflag:s22] =	ssyncset.done $0x0  }
0xa0: {  	[sflag:s22] =	ssyncadd.s32 s3;
	_ =	sdelay $0x1  }
0xa1: {  	s23 =	simm.s32 $0x1B8B  }
0xa2: {  	_ =	swait.ge [sflag:s23], $0x1  }
0xa3: {  	[sflag:s23] =	ssyncset.done $0x0  }
0xa4: {  	s25 =	simm.s32 $0x1B8E;
	s24 =	sld [smem:$0x3FFE];
	[sflag:s23] =	ssyncadd.s32 $0xFFFFFFFF  }
0xa5: {  	s26 =	simm.s32 $execute0_lowered;
	[smem:$0x3FD2] =	sst s25  }
0xa6: {  	s4 =	sshll.u32 s26, $0x1;
	_ =	strace $0x80000046;
	[dreg:$0x1] =	wrdreg $0xFFFFFFFF  }
0xa7: {  	s28 =	simm.s32 $_size_execute0_lowered;
	s2 =	sadd.s32 s2, s4;
	[dreg:$0x0] =	wrdreg $0x0  }
0xa8: {  	s4 =	sshll.u32 s28, $0x1;
	[dreg:$0x2] =	wrdreg s2  }
0xa9: {  	[dreg:$0x3] =	wrdreg s4  }
0xaa: {  	[dreg:$0x4] =	wrdreg $0xC0  }
0xab: {  	_ =	task [dreg:s6], $0x5FFFF  }
0xac: {  	[dreg:$0x1] =	wrdreg $0xFFFFFFFF  }
0xad: {  	[dreg:$0x0] =	wrdreg $0x60  }
0xae: {  	[dreg:$0x2] =	wrdreg s24  }
0xaf: {  	[dreg:$0x3] =	wrdreg $0x0  }
0xb0: {  	[dreg:$0x4] =	wrdreg $0x9  }
0xb1: {  	_ =	task.clear_ibuf [dreg:s6], $0x5FFFF;
	_ =	strace $0x90000046  }
0xb2: {  	s29 =	simm.s32 $0x9;
	_ =	strace $0x80000048  }
0xb3: {  	_ =	swait.ge [sflag:s29], $0x1  }
0xb4: {  	[sflag:s29] =	ssyncadd.s32 $0xFFFFFFFF  }
0xb5: {  	_ =	strace $0x90000048  }
0xb6: {  	_ =	sfence  }
0xb7: {  	s30 =	sld [smem:$0x0];
	_ =	sdelay $0x2  }
0xb8: {  	s31 =	sshll.u32 s1, $0xD;
	s1 =	sshrl.u32 s1, $0x2  }
0xb9: {  	s3 =	sand.u32 $0x4000, s31;
	s1 =	sadd.s32 s1, s30  }
0xba: {  	s0 =	sor.u32 s3, s0;
	s1 =	sshll.u32 s1, $0x11  }
0xbb: {  	s0 =	sor.u32 s1, s0  }
0xbc: {  	s0 =	sadd.s32 $0x8F2B, s0  }
0xbd: {  	[sflag:s0] =	ssyncadd.remote.s32 $0x1  }
0xbe: {  	_ =	sfence.sel $0xFFFF  }
0xbf: {  	[dreg:$0x0] =	wrdreg $0xFFFFFFFF;
	(pc) =	sbr.abs _section_cstart, $3  }
0xc0: {  	[dreg:$0x1] =	wrdreg $0xFFFFFFFF  }
0xc1: {  	_ =	task.clear_ibuf [dreg:s6], $0x2FFFF;
	_ =	strace $0x9FFFFFFF  }
0xc2: {  	(tm) =	ssettm $0x7FFFFFFF  }
0xc3: {  	_ =	shalt  }
tec
execute0_lowered:
.L_overlay_start_1:
0x0: {  	(tag) =	ssettag $0x1  }
0x1: {  	s0 =	rddreg [dreg:$0x0]  }
0x2: {  	s1 =	rddreg [dreg:$0x1]  }
0x3: {  	s3 =	simm.s32 $0x0;
	s2 =	srdreg.scid;
	s14 =	stileid.u32  }
0x4: {  	s30 =	simm.s32 $0x13D00;
	s31 =	simm.s32 $0x13D80;
	[smem:$0x7FF] =	sst s3  }
0x5: {  	s2 =	sand.u32 $0x1, s2;
	s8 =	smul.u32 $0x2780, s14;
	s4 =	sadd.s32 $0x4600, s0  }
0x6: {  	s5 =	sadd.s32 $0x757600, s0;
	s6 =	sadd.s32 $0x35800, s0;
	s10 =	smul.u32 $0x4F000, s14  }
0x7: {  	s7 =	sadd.s32 $0x2B800, s0;
	s11 =	sadd.s32 $0x3F800, s0;
	s18 =	smul.u32 $0x5000, s14  }
0x8: {  	s13 =	smul.u32 $0x2800, s14;
	s22 =	sshll.u32 s14, $0x6;
	s14 =	simm.s32 $0x4  }
0x9: {  	_ =	strace $0x80000047;
	s9 =	smul.u32 $0x27800, s2;
	[dreg:$0x3] =	wrdreg s11  }
0xa: {  	s20 =	ssub.s32 $0x2, s2;
	s21 =	smul.u32 $0x28000, s2;
	s19 =	sor.u32 $0x1C07, s22  }
0xb: {  	s2 =	smul.u32 $0x2710, s2;
	s22 =	simm.s32 $0x7;
	s12 =	sshrl.u32 s20, $0x1  }
0xc: {  	s10 =	sshrl.u32 s10, $0x2;
	s23 =	sshrl.u32 s18, $0x3;
	s16 =	sor.u32 $0x100, s18  }
0xd: {  	s17 =	sor.u32 $0x180, s18;
	[dreg:$0x4] =	wrdreg s19;
	s8 =	sadd.s32 s8, s9  }
0xe: {  	s10 =	sadd.s32 s10, s1;
	s11 =	sadd.s32 s13, s21;
	s24 =	sadd.s32 s6, s23  }
0xf: {  	s26 =	sadd.s32 s7, s23;
	s0 =	sadd.s32 s8, s0;
	[dreg:$0x5] =	wrdreg s24  }
0x10: {  	s8 =	ssub.s32 s20, s12;
	s25 =	sshll.u32 s11, $0x4;
	[dreg:$0x6] =	wrdreg s26  }
0x11: {  	s12 =	sor.u32 $0x10, s23;
	s15 =	sor.u32 $0x40, s11;
	s18 =	sor.u32 $0x80, s11  }
0x12: {  	s9 =	sshrl.u32 s10, $0x3;
	s23 =	simm.s32 $0x13C00;
	s24 =	simm.s32 $0x13C80  }
0x13: {  	s26 =	simm.s32 $0x80;
	s13 =	sadd.s32 s5, s25;
	[dreg:$0xc] =	wrdreg s9  }
0x14: {  	s10 =	simm.s32 $0x1;
	s28 =	sadd.s32 s6, s12;
	[dreg:$0x7] =	wrdreg s13  }
.Ltmp0:
0x15: {  	s12 =	sadd.s32 s7, s12;
	[dreg:$0x8] =	wrdreg s28;
	(pc) =	sbr.rel .LBB2_1-.Ltmp0, $4  }
0x16: {  	s11 =	simm.s32 $0x3;
	s0 =	sadd.s32 $0x42000, s0;
	[dreg:$0x9] =	wrdreg s12  }
0x17: {  	s20 =	simm.s32 $0x0;
	s29 =	smax.u32 s8, $0x1;
	[dreg:$0xa] =	wrdreg s0  }
0x18: {  	s25 =	simm.s32 $0x5;
	s8 =	simm.s32 $0x19E00;
	[dreg:$0xb] =	wrdreg s29  }
0x19: {  	v0 =	vmov s2;
	s0 =	simm.s32 $0x6;
	s12 =	simm.s32 $0x1BE00;
	s13 =	simm.s32 $0x2  }
.LBB2_8:
0x1a: {  	[bflag:$0x0] =	sbarrier.arrive $0xFFFF  }
0x1b: {  	s19 =	rddreg [dreg:$0x4]  }
0x1c: {  	s2 =	rddreg [dreg:$0xa]  }
0x1d: {  	s9 =	rddreg [dreg:$0xc]  }
0x1e: {  	[hbm:s2], [sflag:s19] =	dma.local [spmem:s9], $0x2780  }
0x1f: {  	_ =	swait.ge [sflag:s22], $0x2780  }
0x20: {  	s20 =	rddreg [dreg:$0xd]  }
0x21: {  	s29 =	rddreg [dreg:$0xb];
	s20 =	sadd.s32 $0x1, s20  }
0x22: {  	p0 =	sne.s32 s20, s29  }
.Ltmp1:
0x23: {  	_ = 	snop;
	(pc) =	sbr.rel @!p0 .LBB2_9-.Ltmp1, $3  }
0x24: {  	_ =	sdelay $0x1  }
0x25: {  	[sflag:s22] =	ssyncset.done $0x0  }
0x26: {  	[sflag:s22] =	ssyncadd.s32 $0xFFFFD880  }
.LBB2_1:
0x27: {  	[dreg:$0xd] =	wrdreg s20  }
0x28: {  	s2 =	rddreg [dreg:$0x3]  }
0x29: {  	[spmem:s9], [sflag:s19] =	dma.local [hbm:s2], $0x2780  }
0x2a: {  	_ =	swait.ge [sflag:s22], $0x2780  }
0x2b: {  	[sflag:s22] =	ssyncset.done $0x0  }
0x2c: {  	[sflag:s22] =	ssyncadd.s32 $0xFFFFD880  }
0x2d: {  	[bflag:$0x0] =	sbarrier.arrive $0xFFFF  }
0x2e: {  	s29 =	rddreg [dreg:$0x5]  }
0x2f: {  	[tilespmem:s23], [sflag:$0x5] =	stream.linear.gather [hbm4b:s29+s3], $0x80, $0x38;
	[tilespmem:$0x1FE00] =	vst v63  }
0x30: {  	s9 =	rddreg [dreg:$0x6]  }
0x31: {  	[tilespmem:s24], [sflag:$0x5] =	stream.linear.gather [hbm4b:s9+s3], $0x80, $0x38;
	[tilespmem:$0x1FE00] =	vst v63  }
0x32: {  	_ =	swait.ge [sflag:s25], $0x80  }
0x33: {  	[sflag:s25] =	ssyncset.done $0x0  }
0x34: {  	[sflag:s25] =	ssyncadd.s32 $0xFFFFFF80  }
0x35: {  	_ =	swait.ge [sflag:s25], $0x80  }
0x36: {  	[sflag:s25] =	ssyncset.done $0x0  }
0x37: {  	[sflag:s25] =	ssyncadd.s32 $0xFFFFFF80  }
0x38: {  	v1 =	vld [tilespmem:$0x13C00]  }
0x39: {  	v2 =	vld [tilespmem:$0x13C10]  }
0x3a: {  	v3 =	vld [tilespmem:$0x13C20]  }
0x3b: {  	v4 =	vld [tilespmem:$0x13C30]  }
0x3c: {  	v5 =	vld [tilespmem:$0x13C40]  }
0x3d: {  	v6 =	vld [tilespmem:$0x13C50];
	v1 =	vadd.s32 v0, v1  }
0x3e: {  	[tilespmem:$0x13C00] =	vst v1;
	v1 =	vadd.s32 v0, v2;
	v2 =	vld [tilespmem:$0x13C60]  }
0x3f: {  	[tilespmem:$0x13C10] =	vst v1;
	v1 =	vadd.s32 v0, v3;
	v3 =	vld [tilespmem:$0x13C70]  }
0x40: {  	[tilespmem:$0x13C20] =	vst v1;
	v1 =	vadd.s32 v0, v4  }
0x41: {  	[tilespmem:$0x13C30] =	vst v1;
	v1 =	vadd.s32 v0, v5  }
0x42: {  	[tilespmem:$0x13C40] =	vst v1;
	v1 =	vadd.s32 v0, v6  }
0x43: {  	[tilespmem:$0x13C50] =	vst v1;
	v1 =	vadd.s32 v0, v2  }
0x44: {  	[tilespmem:$0x13C60] =	vst v1;
	v1 =	vadd.s32 v0, v3  }
0x45: {  	s19 =	simm.s32 $0x13E00;
	[tilespmem:$0x13C70] =	vst v1  }
0x46: {  	[tilespmem:s19], [sflag:$0x1] =	stream.indirect.gather [hbm4b:s4+s26], $0x40, s23, s26, $0xb8;
	[tilespmem:$0x1FE00] =	vst v63  }
0x47: {  	s21 =	simm.s32 $0x17E00;
	s20 =	rddreg [dreg:$0x7]  }
0x48: {  	[tilespmem:s21], [sflag:$0x3] =	stream.linear.gather [hbm4b:s20+s3], $0x2000, $0x38;
	[tilespmem:$0x1FE00] =	vst v63  }
0x49: {  	s28 =	rddreg [dreg:$0x8]  }
0x4a: {  	[tilespmem:s30], [sflag:$0x6] =	stream.linear.gather [hbm4b:s28+s3], $0x80, $0x38;
	[tilespmem:$0x1FE00] =	vst v63  }
0x4b: {  	s29 =	rddreg [dreg:$0x9];
	s20 =	simm.s32 $0x0  }
0x4c: {  	[tilespmem:s31], [sflag:$0x6] =	stream.linear.gather [hbm4b:s29+s3], $0x80, $0x38;
	[tilespmem:$0x1FE00] =	vst v63  }
.LBB2_2:
0x4d: {  	_ =	swait.ge [sflag:s0], $0x80  }
0x4e: {  	[sflag:s0] =	ssyncset.done $0x0  }
0x4f: {  	[sflag:s0] =	ssyncadd.s32 $0xFFFFFF80  }
0x50: {  	_ =	swait.ge [sflag:s0], $0x80  }
0x51: {  	[sflag:s0] =	ssyncset.done $0x0  }
0x52: {  	[sflag:s0] =	ssyncadd.s32 $0xFFFFFF80  }
0x53: {  	v1 =	vld [tilespmem:$0x13D00]  }
0x54: {  	v2 =	vld [tilespmem:$0x13D10]  }
0x55: {  	v3 =	vld [tilespmem:$0x13D20]  }
0x56: {  	v4 =	vld [tilespmem:$0x13D30]  }
0x57: {  	v5 =	vld [tilespmem:$0x13D40]  }
0x58: {  	v6 =	vld [tilespmem:$0x13D50];
	v1 =	vadd.s32 v0, v1  }
0x59: {  	[tilespmem:$0x13D00] =	vst v1;
	v1 =	vadd.s32 v0, v2;
	v2 =	vld [tilespmem:$0x13D60]  }
0x5a: {  	[tilespmem:$0x13D10] =	vst v1;
	v1 =	vadd.s32 v0, v3;
	v3 =	vld [tilespmem:$0x13D70]  }
0x5b: {  	[tilespmem:$0x13D20] =	vst v1;
	v1 =	vadd.s32 v0, v4  }
0x5c: {  	[tilespmem:$0x13D30] =	vst v1;
	v1 =	vadd.s32 v0, v5  }
0x5d: {  	[tilespmem:$0x13D40] =	vst v1;
	v1 =	vadd.s32 v0, v6  }
0x5e: {  	[tilespmem:$0x13D50] =	vst v1;
	v1 =	vadd.s32 v0, v2  }
0x5f: {  	s9 =	sshll.u32 s20, $0x7;
	[tilespmem:$0x13D60] =	vst v1;
	v1 =	vadd.s32 v0, v3  }
0x60: {  	s2 =	simm.s32 $0x15E00;
	s21 =	sadd.s32 s9, s15;
	[tilespmem:$0x13D70] =	vst v1  }
0x61: {  	[tilespmem:s2], [sflag:$0x2] =	stream.indirect.gather [hbm4b:s4+s26], $0x40, s30, s26, $0xb8;
	[tilespmem:$0x1FE00] =	vst v63  }
0x62: {  	s2 =	sshll.u32 s21, $0x4  }
0x63: {  	s19 =	simm.s32 $0x0;
	s2 =	sadd.s32 s5, s2  }
0x64: {  	[tilespmem:s8], [sflag:$0x4] =	stream.linear.gather [hbm4b:s2+s19], $0x2000, $0x38;
	[tilespmem:$0x1FE00] =	vst v63  }
0x65: {  	_ =	swait.ge [sflag:s10], $0x2000  }
0x66: {  	[sflag:s10] =	ssyncset.done $0x0  }
0x67: {  	[sflag:s10] =	ssyncadd.s32 $0xFFFFE000  }
0x68: {  	_ =	swait.ge [sflag:s11], $0x2000  }
0x69: {  	[sflag:s11] =	ssyncset.done $0x0  }
0x6a: {  	s29 =	simm.s32 $0x0;
	[sflag:s11] =	ssyncadd.s32 $0xFFFFE000  }
0x6b: {  	v2 =	vld [tilespmem:s29+$0x13E10]  }
0x6c: {  	v8 =	vld [tilespmem:s29+$0x13E40]  }
0x6d: {  	v5 =	vld [tilespmem:s29+$0x17E30]  }
0x6e: {  	v9 =	vld [tilespmem:s29+$0x17E40]  }
0x6f: {  	v3 =	vld [tilespmem:s29+$0x13E60]  }
0x70: {  	v7 =	vld [tilespmem:s29+$0x13E30]  }
0x71: {  	v4 =	vld [tilespmem:s29+$0x17E60]  }
0x72: {  	v6 =	vld [tilespmem:s29+$0x17E10]  }
0x73: {  	s28 =	simm.s32 $0x200;
	s21 =	simm.s32 $0x1BE80;
	s19 =	simm.s32 $0x1BE80;
	v1 =	vld [tilespmem:s29+$0x17E00];
	v8 =	vadd.f32 v9, v8  }
.LBB2_3:
0x74: {  	p0 =	sne.s32 s28, $0x7E00  }
0x75: {  	v9 =	vld [tilespmem:s29+$0x17E20];
	v5 =	vadd.f32 v5, v7;
	s19 =	sadd.s32 $0x100, s19;
	s2 =	smov.u32 s28;
	s28 =	sadd.s32 $0x200, s28  }
0x76: {  	v7 =	vld [tilespmem:s29+$0x13E20];
	v3 =	vadd.f32 v4, v3;
	v4 =	vmax.f32 v8, $0.0e+00  }
0x77: {  	v8 =	vld [tilespmem:s29+$0x17E50];
	v2 =	vadd.f32 v6, v2;
	v5 =	vmax.f32 v5, $0.0e+00;
	v4 =	vadd.f32 $1.000000010e-07, v4  }
0x78: {  	v6 =	vld [tilespmem:s29+$0x13E50];
	v5 =	vadd.f32 $1.000000010e-07, v5  }
0x79: {  	v10 =	vld [tilespmem:s29+$0x13E00];
	v2 =	vmax.f32 v2, $0.0e+00;
	v11 =	vmul.f32 $1.442695020e+00, v4  }
0x7a: {  	v2 =	vadd.f32 $1.000000010e-07, v2;
	v12 =	vmul.f32 $1.442695020e+00, v5  }
0x7b: {  	(erf) = vpow2.f32 v11  }
0x7c: {  	v3 =	vmax.f32 v3, $0.0e+00;
	v7 =	vadd.f32 v9, v7;
	v11 =	vld [tilespmem:s29+$0x13E70];
	(erf) = vpow2.f32 v12  }
0x7d: {  	v3 =	vadd.f32 $1.000000010e-07, v3;
	v9 =	vld [tilespmem:s29+$0x17E70];
	v6 =	vadd.f32 v8, v6;
	v8 =	vmul.f32 $1.442695020e+00, v2  }
0x7e: {  	v7 =	vmax.f32 v7, $0.0e+00;
	v1 =	vadd.f32 v1, v10  }
0x7f: {  	v7 =	vadd.f32 $1.000000010e-07, v7;
	v10 =	vmul.f32 $1.442695020e+00, v3;
	v6 =	vmax.f32 v6, $0.0e+00  }
0x80: {  	v1 =	vmax.f32 v1, $0.0e+00;
	v6 =	vadd.f32 $1.000000010e-07, v6;
	(erf) = vpow2.f32 v8  }
0x81: {  	v8 =	vmul.f32 $1.442695020e+00, v7;
	v1 =	vadd.f32 $1.000000010e-07, v1;
	(erf) = vpow2.f32 v10  }
0x82: {  	v12 =	vadd.f32 v9, v11;
	v10 =	vmul.f32 $1.442695020e+00, v6  }
0x83: {  	v11 =	vmul.f32 $1.442695020e+00, v1;
	(erf) = vpow2.f32 v8  }
0x84: {  	v8 =	vmax.f32 v12, $0.0e+00;
	v9 =	vpop (erf)  }
0x85: {  	v8 =	vadd.f32 $1.000000010e-07, v8;
	v4 =	vmul.f32 v9, v4;
	[tilespmem:s21+$0x40] =	vst v9;
	v9 =	vpop (erf);
	(erf) = vpow2.f32 v10  }
0x86: {  	v5 =	vmul.f32 v9, v5;
	[tilespmem:s21+$0xFFFFFFF0] =	vst v9;
	(erf) = vpow2.f32 v11  }
0x87: {  	s29 =	sshra.s32 s2, $0x2;
	v9 =	vmul.f32 $1.442695020e+00, v8;
	[tilespmem:s21+$0x0] =	vst v4  }
0x88: {  	[tilespmem:s21+$0xFFFFFFB0] =	vst v5  }
0x89: {  	v4 =	vpop (erf);
	(erf) = vpow2.f32 v9  }
0x8a: {  	v5 =	vmul.f32 v4, v2;
	[tilespmem:s21+$0xFFFFFFD0] =	vst v4;
	v4 =	vpop (erf)  }
0x8b: {  	v3 =	vmul.f32 v4, v3;
	[tilespmem:s21+$0x60] =	vst v4  }
0x8c: {  	[tilespmem:s21+$0xFFFFFF90] =	vst v5;
	v2 =	vpop (erf)  }
0x8d: {  	v5 =	vmul.f32 v2, v7;
	[tilespmem:s21+$0x20] =	vst v3  }
0x8e: {  	[tilespmem:s21+$0xFFFFFFE0] =	vst v2;
	v2 =	vpop (erf)  }
0x8f: {  	v3 =	vmul.f32 v2, v6;
	[tilespmem:s21+$0xFFFFFFA0] =	vst v5;
	v4 =	vpop (erf)  }
0x90: {  	v5 =	vmul.f32 v4, v1;
	[tilespmem:s21+$0xFFFFFFC0] =	vst v4  }
0x91: {  	[tilespmem:s21+$0x10] =	vst v3  }
0x92: {  	[tilespmem:s21+$0xFFFFFF80] =	vst v5;
	v1 =	vpop (erf)  }
0x93: {  	v3 =	vmul.f32 v1, v8;
	[tilespmem:s21+$0x70] =	vst v1  }
0x94: {  	[tilespmem:s21+$0x50] =	vst v2  }
0x95: {  	[tilespmem:s21+$0x30] =	vst v3;
	s21 =	smov.u32 s19  }
0x96: {  	v2 =	vld [tilespmem:s29+$0x13E10]  }
0x97: {  	v8 =	vld [tilespmem:s29+$0x13E40]  }
0x98: {  	v5 =	vld [tilespmem:s29+$0x17E30]  }
0x99: {  	v9 =	vld [tilespmem:s29+$0x17E40]  }
0x9a: {  	v3 =	vld [tilespmem:s29+$0x13E60]  }
.Ltmp2:
0x9b: {  	v7 =	vld [tilespmem:s29+$0x13E30];
	(pc) =	sbr.rel @p0 .LBB2_3-.Ltmp2, $3  }
0x9c: {  	v4 =	vld [tilespmem:s29+$0x17E60]  }
0x9d: {  	v6 =	vld [tilespmem:s29+$0x17E10];
	_ =	sdelay $0x1  }
0x9e: {  	v8 =	vadd.f32 v9, v8;
	v1 =	vld [tilespmem:s29+$0x17E00]  }
0x9f: {  	v9 =	vld [tilespmem:s29+$0x17E20]  }
0xa0: {  	v5 =	vadd.f32 v5, v7;
	v7 =	vld [tilespmem:s29+$0x13E20]  }
0xa1: {  	v10 =	vld [tilespmem:s29+$0x17E50];
	v8 =	vmax.f32 v8, $0.0e+00  }
0xa2: {  	v2 =	vadd.f32 v6, v2;
	v5 =	vmax.f32 v5, $0.0e+00;
	v6 =	vadd.f32 $1.000000010e-07, v8;
	v8 =	vld [tilespmem:s29+$0x13E50]  }
0xa3: {  	v5 =	vadd.f32 $1.000000010e-07, v5  }
0xa4: {  	v3 =	vadd.f32 v4, v3;
	v4 =	vmul.f32 $1.442695020e+00, v6  }
0xa5: {  	v11 =	vld [tilespmem:s29+$0x13E00];
	v12 =	vmul.f32 $1.442695020e+00, v5  }
0xa6: {  	v7 =	vadd.f32 v9, v7;
	v9 =	vld [tilespmem:s29+$0x17E70];
	(erf) = vpow2.f32 v4  }
0xa7: {  	v2 =	vmax.f32 v2, $0.0e+00;
	v4 =	vld [tilespmem:s29+$0x13E70];
	(erf) = vpow2.f32 v12;
	v8 =	vadd.f32 v10, v8  }
0xa8: {  	v3 =	vmax.f32 v3, $0.0e+00;
	v2 =	vadd.f32 $1.000000010e-07, v2  }
0xa9: {  	v3 =	vadd.f32 $1.000000010e-07, v3;
	v8 =	vmax.f32 v8, $0.0e+00  }
0xaa: {  	v10 =	vmul.f32 $1.442695020e+00, v2;
	v7 =	vmax.f32 v7, $0.0e+00;
	v8 =	vadd.f32 $1.000000010e-07, v8  }
0xab: {  	v1 =	vadd.f32 v1, v11;
	v11 =	vmul.f32 $1.442695020e+00, v3;
	v7 =	vadd.f32 $1.000000010e-07, v7  }
0xac: {  	(erf) = vpow2.f32 v10;
	v4 =	vadd.f32 v9, v4;
	v9 =	vmul.f32 $1.442695020e+00, v8  }
0xad: {  	v10 =	vmul.f32 $1.442695020e+00, v7  }
0xae: {  	(erf) = vpow2.f32 v11  }
0xaf: {  	(erf) = vpow2.f32 v10;
	v11 =	vpop (erf)  }
0xb0: {  	(erf) = vpow2.f32 v9;
	v9 =	vpop (erf)  }
0xb1: {  	v1 =	vmax.f32 v1, $0.0e+00;
	v5 =	vmul.f32 v9, v5  }
0xb2: {  	v1 =	vadd.f32 $1.000000010e-07, v1;
	_ =	sdelay $0x1  }
0xb3: {  	v10 =	vmul.f32 $1.442695020e+00, v1  }
0xb4: {  	v4 =	vmax.f32 v4, $0.0e+00;
	[tilespmem:s21+$0xFFFFFFB0] =	vst v5;
	v5 =	vpop (erf)  }
0xb5: {  	v4 =	vadd.f32 $1.000000010e-07, v4;
	(erf) = vpow2.f32 v10;
	v2 =	vmul.f32 v5, v2;
	_ =	sdelay $0x1  }
0xb6: {  	[tilespmem:s21+$0xFFFFFFF0] =	vst v9;
	v9 =	vmul.f32 $1.442695020e+00, v4  }
0xb7: {  	[tilespmem:s21+$0xFFFFFFD0] =	vst v5;
	v5 =	vpop (erf)  }
0xb8: {  	(erf) = vpow2.f32 v9;
	[tilespmem:s21+$0xFFFFFF90] =	vst v2;
	v2 =	vpop (erf)  }
0xb9: {  	v3 =	vmul.f32 v5, v3;
	[tilespmem:s21+$0x60] =	vst v5;
	v5 =	vmul.f32 v2, v7;
	_ =	sdelay $0x1  }
0xba: {  	[tilespmem:s21+$0x40] =	vst v11  }
0xbb: {  	v6 =	vmul.f32 v11, v6;
	[tilespmem:s21+$0xFFFFFFE0] =	vst v2;
	v2 =	vpop (erf)  }
0xbc: {  	[tilespmem:s21+$0xFFFFFFA0] =	vst v5;
	v5 =	vpop (erf)  }
0xbd: {  	[tilespmem:s21+$0x0] =	vst v6;
	v1 =	vmul.f32 v5, v1  }
0xbe: {  	[tilespmem:s21+$0x20] =	vst v3;
	v3 =	vmul.f32 v2, v8  }
0xbf: {  	[tilespmem:s21+$0x50] =	vst v2  }
0xc0: {  	[tilespmem:s21+$0x10] =	vst v3  }
0xc1: {  	[tilespmem:s21+$0xFFFFFF80] =	vst v1;
	v1 =	vpop (erf)  }
0xc2: {  	[tilespmem:s21+$0xFFFFFFC0] =	vst v5;
	v3 =	vmul.f32 v1, v4  }
0xc3: {  	p0 =	seq.s32 s20, $0x4F;
	[tilespmem:s21+$0x70] =	vst v1  }
0xc4: {  	s2 =	sshll.u32 @!p0 s20, $0x8;
	[tilespmem:s21+$0x30] =	vst v3  }
0xc5: {  	[spmem:s1] =	stream.indirect.scatter.add.f32 [tilespmem:s12], [sflag:$0x7], $0x80, s24, s26, $0xb8;
	[tilespmem:$0x1FE00] =	vst v63  }
0xc6: {  	s2 =	sadd.s32 @!p0 s2, s16;
	_ =	swait.ge [sflag:s22], $0x4000  }
0xc7: {  	s28 =	simm.s32 @!p0 $0x13C00;
	s2 =	sshrl.u32 @!p0 s2, $0x3;
	[sflag:s22] =	ssyncset.done $0x0  }
0xc8: {  	s19 =	sadd.s32 @!p0 s6, s2;
	s21 =	simm.s32 @!p0 $0x0;
	[sflag:s22] =	ssyncadd.s32 $0xFFFFC000  }
0xc9: {  	[tilespmem:s28], [sflag:$0x5] =	stream.linear.gather @!p0 [hbm4b:s19+s21], $0x80, $0x38;
	[tilespmem:$0x1FE00] =	vst v63  }
0xca: {  	s2 =	sadd.s32 @!p0 s7, s2;
	s19 =	simm.s32 @!p0 $0x13C80  }
0xcb: {  	[tilespmem:s19], [sflag:$0x5] =	stream.linear.gather @!p0 [hbm4b:s2+s21], $0x80, $0x38;
	[tilespmem:$0x1FE00] =	vst v63  }
0xcc: {  	_ =	swait.ge [sflag:s13], $0x2000  }
0xcd: {  	[sflag:s13] =	ssyncset.done $0x0  }
0xce: {  	[sflag:s13] =	ssyncadd.s32 $0xFFFFE000  }
0xcf: {  	_ =	swait.ge [sflag:s14], $0x2000  }
0xd0: {  	[sflag:s14] =	ssyncset.done $0x0  }
0xd1: {  	s29 =	simm.s32 $0x0;
	[sflag:s14] =	ssyncadd.s32 $0xFFFFE000  }
0xd2: {  	v2 =	vld [tilespmem:s29+$0x15E10]  }
0xd3: {  	v8 =	vld [tilespmem:s29+$0x15E40]  }
0xd4: {  	v5 =	vld [tilespmem:s29+$0x19E30]  }
0xd5: {  	v9 =	vld [tilespmem:s29+$0x19E40]  }
0xd6: {  	v3 =	vld [tilespmem:s29+$0x15E60]  }
0xd7: {  	v7 =	vld [tilespmem:s29+$0x15E30]  }
0xd8: {  	v4 =	vld [tilespmem:s29+$0x19E60]  }
0xd9: {  	v6 =	vld [tilespmem:s29+$0x19E10]  }
0xda: {  	s28 =	simm.s32 $0x200;
	s19 =	simm.s32 $0x1BE80;
	s21 =	simm.s32 $0x1BE80;
	v1 =	vld [tilespmem:s29+$0x19E00];
	v8 =	vadd.f32 v9, v8  }
.LBB2_5:
0xdb: {  	p1 =	sne.s32 s28, $0x7E00  }
0xdc: {  	v9 =	vld [tilespmem:s29+$0x19E20];
	v5 =	vadd.f32 v5, v7;
	s19 =	sadd.s32 $0x100, s19;
	s2 =	smov.u32 s28;
	s28 =	sadd.s32 $0x200, s28  }
0xdd: {  	v7 =	vld [tilespmem:s29+$0x15E20];
	v3 =	vadd.f32 v4, v3;
	v4 =	vmax.f32 v8, $0.0e+00  }
0xde: {  	v8 =	vld [tilespmem:s29+$0x19E50];
	v2 =	vadd.f32 v6, v2;
	v5 =	vmax.f32 v5, $0.0e+00;
	v4 =	vadd.f32 $1.000000010e-07, v4  }
0xdf: {  	v6 =	vld [tilespmem:s29+$0x15E50];
	v5 =	vadd.f32 $1.000000010e-07, v5  }
0xe0: {  	v10 =	vld [tilespmem:s29+$0x15E00];
	v2 =	vmax.f32 v2, $0.0e+00;
	v11 =	vmul.f32 $1.442695020e+00, v4  }
0xe1: {  	v2 =	vadd.f32 $1.000000010e-07, v2;
	v12 =	vmul.f32 $1.442695020e+00, v5  }
0xe2: {  	(erf) = vpow2.f32 v11  }
0xe3: {  	v3 =	vmax.f32 v3, $0.0e+00;
	v7 =	vadd.f32 v9, v7;
	v11 =	vld [tilespmem:s29+$0x15E70];
	(erf) = vpow2.f32 v12  }
0xe4: {  	v3 =	vadd.f32 $1.000000010e-07, v3;
	v9 =	vld [tilespmem:s29+$0x19E70];
	v6 =	vadd.f32 v8, v6;
	v8 =	vmul.f32 $1.442695020e+00, v2  }
0xe5: {  	v7 =	vmax.f32 v7, $0.0e+00;
	v1 =	vadd.f32 v1, v10  }
0xe6: {  	v7 =	vadd.f32 $1.000000010e-07, v7;
	v10 =	vmul.f32 $1.442695020e+00, v3;
	v6 =	vmax.f32 v6, $0.0e+00  }
0xe7: {  	v1 =	vmax.f32 v1, $0.0e+00;
	v6 =	vadd.f32 $1.000000010e-07, v6;
	(erf) = vpow2.f32 v8  }
0xe8: {  	v8 =	vmul.f32 $1.442695020e+00, v7;
	v1 =	vadd.f32 $1.000000010e-07, v1;
	(erf) = vpow2.f32 v10  }
0xe9: {  	v12 =	vadd.f32 v9, v11;
	v10 =	vmul.f32 $1.442695020e+00, v6  }
0xea: {  	v11 =	vmul.f32 $1.442695020e+00, v1;
	(erf) = vpow2.f32 v8  }
0xeb: {  	v8 =	vmax.f32 v12, $0.0e+00;
	v9 =	vpop (erf)  }
0xec: {  	v8 =	vadd.f32 $1.000000010e-07, v8;
	v4 =	vmul.f32 v9, v4;
	[tilespmem:s21+$0x40] =	vst v9;
	v9 =	vpop (erf);
	(erf) = vpow2.f32 v10  }
0xed: {  	v5 =	vmul.f32 v9, v5;
	[tilespmem:s21+$0xFFFFFFF0] =	vst v9;
	(erf) = vpow2.f32 v11  }
0xee: {  	s29 =	sshra.s32 s2, $0x2;
	v9 =	vmul.f32 $1.442695020e+00, v8;
	[tilespmem:s21+$0x0] =	vst v4  }
0xef: {  	[tilespmem:s21+$0xFFFFFFB0] =	vst v5  }
0xf0: {  	v4 =	vpop (erf);
	(erf) = vpow2.f32 v9  }
0xf1: {  	v5 =	vmul.f32 v4, v2;
	[tilespmem:s21+$0xFFFFFFD0] =	vst v4;
	v4 =	vpop (erf)  }
0xf2: {  	v3 =	vmul.f32 v4, v3;
	[tilespmem:s21+$0x60] =	vst v4  }
0xf3: {  	[tilespmem:s21+$0xFFFFFF90] =	vst v5;
	v2 =	vpop (erf)  }
0xf4: {  	v5 =	vmul.f32 v2, v7;
	[tilespmem:s21+$0x20] =	vst v3  }
0xf5: {  	[tilespmem:s21+$0xFFFFFFE0] =	vst v2;
	v2 =	vpop (erf)  }
0xf6: {  	v3 =	vmul.f32 v2, v6;
	[tilespmem:s21+$0xFFFFFFA0] =	vst v5;
	v4 =	vpop (erf)  }
0xf7: {  	v5 =	vmul.f32 v4, v1;
	[tilespmem:s21+$0xFFFFFFC0] =	vst v4  }
0xf8: {  	[tilespmem:s21+$0x10] =	vst v3  }
0xf9: {  	[tilespmem:s21+$0xFFFFFF80] =	vst v5;
	v1 =	vpop (erf)  }
0xfa: {  	v3 =	vmul.f32 v1, v8;
	[tilespmem:s21+$0x70] =	vst v1  }
0xfb: {  	[tilespmem:s21+$0x50] =	vst v2  }
0xfc: {  	[tilespmem:s21+$0x30] =	vst v3;
	s21 =	smov.u32 s19  }
0xfd: {  	v2 =	vld [tilespmem:s29+$0x15E10]  }
0xfe: {  	v8 =	vld [tilespmem:s29+$0x15E40]  }
0xff: {  	v5 =	vld [tilespmem:s29+$0x19E30]  }
0x100: {  	v9 =	vld [tilespmem:s29+$0x19E40]  }
0x101: {  	v3 =	vld [tilespmem:s29+$0x15E60]  }
.Ltmp3:
0x102: {  	v7 =	vld [tilespmem:s29+$0x15E30];
	(pc) =	sbr.rel @p1 .LBB2_5-.Ltmp3, $3  }
0x103: {  	v4 =	vld [tilespmem:s29+$0x19E60]  }
0x104: {  	v6 =	vld [tilespmem:s29+$0x19E10];
	_ =	sdelay $0x1  }
0x105: {  	v8 =	vadd.f32 v9, v8;
	v1 =	vld [tilespmem:s29+$0x19E00]  }
0x106: {  	v9 =	vld [tilespmem:s29+$0x19E20];
	v5 =	vadd.f32 v5, v7  }
0x107: {  	v46 =	vld [tilespmem:s29+$0x15E20];
	v8 =	vmax.f32 v8, $0.0e+00  }
0x108: {  	v10 =	vld [tilespmem:s29+$0x19E50];
	v2 =	vadd.f32 v6, v2;
	v5 =	vmax.f32 v5, $0.0e+00;
	v47 =	vadd.f32 $1.000000010e-07, v8  }
0x109: {  	v48 =	vld [tilespmem:s29+$0x15E50];
	v5 =	vadd.f32 $1.000000010e-07, v5  }
0x10a: {  	v11 =	vld [tilespmem:s29+$0x15E00];
	v3 =	vadd.f32 v4, v3;
	v2 =	vmax.f32 v2, $0.0e+00;
	v49 =	vmul.f32 $1.442695020e+00, v47  }
0x10b: {  	v2 =	vadd.f32 $1.000000010e-07, v2;
	v12 =	vmul.f32 $1.442695020e+00, v5  }
0x10c: {  	v3 =	vmax.f32 v3, $0.0e+00;
	(erf) = vpow2.f32 v49  }
0x10d: {  	v50 =	vld [tilespmem:s29+$0x15E70];
	v7 =	vadd.f32 v9, v46;
	(erf) = vpow2.f32 v12;
	v52 =	vmul.f32 $1.442695020e+00, v2  }
0x10e: {  	v51 =	vld [tilespmem:s29+$0x19E70];
	v3 =	vadd.f32 $1.000000010e-07, v3;
	v8 =	vadd.f32 v10, v48  }
0x10f: {  	v1 =	vadd.f32 v1, v11;
	v7 =	vmax.f32 v7, $0.0e+00;
	(erf) = vpow2.f32 v52  }
0x110: {  	v8 =	vmax.f32 v8, $0.0e+00;
	v7 =	vadd.f32 $1.000000010e-07, v7  }
0x111: {  	v53 =	vmul.f32 $1.442695020e+00, v3;
	v1 =	vmax.f32 v1, $0.0e+00;
	v8 =	vadd.f32 $1.000000010e-07, v8  }
0x112: {  	v1 =	vadd.f32 $1.000000010e-07, v1;
	v54 =	vmul.f32 $1.442695020e+00, v7  }
0x113: {  	v4 =	vadd.f32 v51, v50;
	(erf) = vpow2.f32 v53;
	v55 =	vmul.f32 $1.442695020e+00, v8  }
0x114: {  	v56 =	vmul.f32 $1.442695020e+00, v1;
	(erf) = vpow2.f32 v54  }
0x115: {  	v4 =	vmax.f32 v4, $0.0e+00;
	v57 =	vpop (erf);
	(erf) = vpow2.f32 v55  }
0x116: {  	v4 =	vadd.f32 $1.000000010e-07, v4;
	v58 =	vpop (erf);
	(erf) = vpow2.f32 v56;
	_ =	sdelay $0x1  }
0x117: {  	v59 =	vmul.f32 $1.442695020e+00, v4;
	v6 =	vmul.f32 v57, v47;
	[tilespmem:s21+$0x40] =	vst v57;
	v60 =	vpop (erf)  }
0x118: {  	v5 =	vmul.f32 v58, v5;
	[tilespmem:s21+$0xFFFFFFF0] =	vst v58;
	v2 =	vmul.f32 v60, v2  }
0x119: {  	[tilespmem:s21+$0x0] =	vst v6  }
0x11a: {  	(erf) = vpow2.f32 v59;
	[tilespmem:s21+$0xFFFFFFB0] =	vst v5  }
0x11b: {  	[tilespmem:s21+$0xFFFFFFD0] =	vst v60;
	v61 =	vpop (erf)  }
0x11c: {  	[tilespmem:s21+$0xFFFFFF90] =	vst v2;
	v2 =	vpop (erf)  }
0x11d: {  	v3 =	vmul.f32 v61, v3;
	v62 =	vmul.f32 v2, v7;
	[tilespmem:s21+$0xFFFFFFE0] =	vst v2;
	v2 =	vpop (erf)  }
0x11e: {  	[tilespmem:s21+$0x60] =	vst v61;
	v63 =	vpop (erf)  }
0x11f: {  	[tilespmem:s21+$0x20] =	vst v3;
	v1 =	vmul.f32 v63, v1  }
0x120: {  	[tilespmem:s21+$0x50] =	vst v2  }
0x121: {  	[tilespmem:s21+$0xFFFFFFA0] =	vst v62  }
0x122: {  	v3 =	vmul.f32 v2, v8;
	[tilespmem:s21+$0xFFFFFFC0] =	vst v63  }
0x123: {  	[tilespmem:s21+$0xFFFFFF80] =	vst v1;
	v1 =	vpop (erf)  }
0x124: {  	[tilespmem:s21+$0x10] =	vst v3;
	v3 =	vmul.f32 v1, v4  }
0x125: {  	[tilespmem:s21+$0x70] =	vst v1  }
.Ltmp4:
0x126: {  	[tilespmem:s21+$0x30] =	vst v3;
	(pc) =	sbr.rel @p0 .LBB2_8-.Ltmp4, $4  }
0x127: {  	[spmem:s1] =	stream.indirect.scatter.add.f32 [tilespmem:s12], [sflag:$0x7], $0x80, s31, s26, $0xb8;
	[tilespmem:$0x1FE00] =	vst v63  }
0x128: {  	_ =	swait.ge [sflag:s22], $0x4000  }
0x129: {  	[sflag:s22] =	ssyncset.done $0x0  }
0x12a: {  	[sflag:s22] =	ssyncadd.s32 $0xFFFFC000  }
0x12b: {  	s2 =	sshll.u32 s20, $0x8  }
0x12c: {  	s2 =	sadd.s32 s2, s17  }
0x12d: {  	s2 =	sshrl.u32 s2, $0x3  }
0x12e: {  	s19 =	sadd.s32 s6, s2  }
0x12f: {  	[tilespmem:s30], [sflag:$0x6] =	stream.linear.gather [hbm4b:s19+s3], $0x80, $0x38;
	[tilespmem:$0x1FE00] =	vst v63  }
0x130: {  	s2 =	sadd.s32 s7, s2  }
0x131: {  	[tilespmem:s31], [sflag:$0x6] =	stream.linear.gather [hbm4b:s2+s3], $0x80, $0x38;
	[tilespmem:$0x1FE00] =	vst v63  }
0x132: {  	_ =	swait.ge [sflag:s25], $0x80  }
0x133: {  	[sflag:s25] =	ssyncset.done $0x0  }
0x134: {  	[sflag:s25] =	ssyncadd.s32 $0xFFFFFF80  }
0x135: {  	_ =	swait.ge [sflag:s25], $0x80  }
0x136: {  	[sflag:s25] =	ssyncset.done $0x0  }
0x137: {  	[sflag:s25] =	ssyncadd.s32 $0xFFFFFF80  }
0x138: {  	v1 =	vld [tilespmem:$0x13C00]  }
0x139: {  	v2 =	vld [tilespmem:$0x13C10]  }
0x13a: {  	v3 =	vld [tilespmem:$0x13C20]  }
0x13b: {  	v4 =	vld [tilespmem:$0x13C30]  }
0x13c: {  	v5 =	vld [tilespmem:$0x13C40]  }
0x13d: {  	v6 =	vld [tilespmem:$0x13C50];
	v1 =	vadd.s32 v0, v1  }
0x13e: {  	[tilespmem:$0x13C00] =	vst v1;
	v1 =	vadd.s32 v0, v2;
	v2 =	vld [tilespmem:$0x13C60]  }
0x13f: {  	[tilespmem:$0x13C10] =	vst v1;
	v1 =	vadd.s32 v0, v3;
	v3 =	vld [tilespmem:$0x13C70]  }
0x140: {  	[tilespmem:$0x13C20] =	vst v1;
	v1 =	vadd.s32 v0, v4  }
0x141: {  	[tilespmem:$0x13C30] =	vst v1;
	v1 =	vadd.s32 v0, v5  }
0x142: {  	[tilespmem:$0x13C40] =	vst v1;
	v1 =	vadd.s32 v0, v6  }
0x143: {  	[tilespmem:$0x13C50] =	vst v1;
	v1 =	vadd.s32 v0, v2  }
.Ltmp5:
0x144: {  	s28 =	sadd.s32 s9, s18;
	[tilespmem:$0x13C60] =	vst v1;
	v1 =	vadd.s32 v0, v3;
	(pc) =	sbr.rel .LBB2_2-.Ltmp5, $4  }
0x145: {  	s21 =	simm.s32 $0x13E00;
	s2 =	sshll.u32 s28, $0x4;
	[tilespmem:$0x13C70] =	vst v1  }
0x146: {  	[tilespmem:s21], [sflag:$0x1] =	stream.indirect.gather [hbm4b:s4+s26], $0x40, s23, s26, $0xb8;
	[tilespmem:$0x1FE00] =	vst v63  }
0x147: {  	s29 =	simm.s32 $0x17E00;
	s20 =	sadd.s32 $0x1, s20;
	s2 =	sadd.s32 s5, s2  }
0x148: {  	[tilespmem:s29], [sflag:$0x3] =	stream.linear.gather [hbm4b:s2+s3], $0x2000, $0x38;
	[tilespmem:$0x1FE00] =	vst v63  }
.LBB2_9:
0x149: {  	_ =	sfence.sel $0x180000  }
0x14a: {  	[bflag:$0x0] =	sbarrier.arrive $0xFFFF  }
0x14b: {  	_ =	strace $0x90000047  }
0x14c: {  	s0 =	stileid.u32;
	[bflag:$0x2] =	sbarrier.arrive $0xFFFF  }
0x14d: {  	p0 =	sne.s32 s0, $0x0;
	s0 =	rddreg [dreg:$0x2]  }
0x14e: {  	s0 =	sadd.s32 @!p0 $0x100000, s0  }
0x14f: {  	[sflag:s0] =	ssyncadd.tile.s32 @!p0 $0x1;
	_ =	shalt  }
.Lfunc_end2:
_tile_overlayer_lowered:
.L_overlay_start_2:
0x150: {  	(tag) =	ssettag $0x2  }
0x151: {  	s0 =	rddreg [dreg:$0x0];
	s2 =	stileid.u32  }
0x152: {  	s1 =	rddreg [dreg:$0x1];
	p0 =	sne.s32 s2, $0x0  }
0x153: {  	s3 =	rddreg [dreg:$0x2];
	[bflag:$0x3] =	sbarrier.arrive $0xFFFF;
	s2 =	simm.s32 @!p0 $0x1C07  }
0x154: {  	[timem:s3], [sflag:s2] =	dma.local @!p0 [hbm:s0], s1  }
0x155: {  	s0 =	simm.s32 @!p0 $0x7  }
0x156: {  	_ =	swait.ge @!p0 [sflag:s0], s1  }
0x157: {  	s1 =	ssub.s32 @!p0 $0x0, s1;
	[sflag:s0] =	ssyncset.done @!p0 $0x0  }
0x158: {  	[sflag:s0] =	ssyncadd.s32 @!p0 s1  }
0x159: {  	[bflag:$0x3] =	sbarrier.arrive $0xFFFF  }
0x15a: {  	_ =	shalt  }

</sc_bundles>
